<compile_context>
chip_gen: v7x
topology: tpu7x:2x2x1
jax: 0.10.2.dev20260603
libtpu: 0.0.44.dev20260713+nightly
codegen_flags: <defaults>
</compile_context>

<pallas_src>
import jax
import jax.numpy as jnp
from jax import lax
from jax.experimental import pallas as pl
from jax.experimental.pallas import tpu as pltpu
from jax.experimental.pallas import tpu_sc as plsc

B = 16384
COLS = 20
NC = 2
NS = 16
LANES = 16
NW = NC * NS
CHUNK = B // NW
HALF = CHUNK // 2
GROUPS = CHUNK // LANES
UNROLL = 2


def _body(xt_hbm, emb_hbm, out_hbm, xbuf, embbuf, obuf, sem0, sem1):
    cid = lax.axis_index("c")
    sid = lax.axis_index("s")
    wid = sid * NC + cid
    base = wid * CHUNK

    c0 = pltpu.async_copy(
        xt_hbm.at[:, pl.ds(base, HALF)], xbuf.at[:, pl.ds(0, HALF)], sem0)
    c1 = pltpu.async_copy(
        xt_hbm.at[:, pl.ds(base + HALF, HALF)], xbuf.at[:, pl.ds(HALF, HALF)], sem1)
    pltpu.sync_copy(emb_hbm, embbuf)

    def make_loop(lo, hi):
        @plsc.parallel_loop(lo, hi, step=1, unroll=UNROLL)
        def _loop(i):
            o = i * LANES
            cols = [xbuf[j, pl.ds(o, LANES)] for j in range(COLS)]
            obj = cols[15:20]
            for g in range(3):
                acc = None
                for j in range(5):
                    idx = cols[5 * g + j].astype(jnp.int32)
                    w = plsc.load_gather(embbuf, [idx])
                    t = w * obj[j]
                    acc = t if acc is None else acc + t
                obuf[g, pl.ds(o, LANES)] = acc

    c0.wait()
    make_loop(0, GROUPS // 2)
    c1.wait()
    make_loop(GROUPS // 2, GROUPS)

    pltpu.sync_copy(obuf, out_hbm.at[:, pl.ds(base, CHUNK)])


@jax.jit
def kernel(x, level_embedding):
    xt = x.T
    emb = level_embedding.reshape(5)
    mesh = plsc.VectorSubcoreMesh(
        core_axis_name="c", subcore_axis_name="s",
        num_cores=NC, num_subcores=NS,
    )
    run = pl.kernel(
        _body,
        out_type=jax.ShapeDtypeStruct((3, B), jnp.float32),
        mesh=mesh,
        scratch_types=[
            pltpu.VMEM((COLS, CHUNK), jnp.float32),
            pltpu.VMEM((5,), jnp.float32),
            pltpu.VMEM((3, CHUNK), jnp.float32),
            pltpu.SemaphoreType.DMA,
            pltpu.SemaphoreType.DMA,
        ],
        compiler_params=pltpu.CompilerParams(
            needs_layout_passes=False,
            use_tc_tiling_on_sc=True,
            disable_bounds_checks=True,
        ),
    )
    return run(xt, emb).T

# --- scband reference (transcript-rebuilt; emitter-appended) ---
"""Pipeline reference for scband-dqn-37572373905860 (READ-ONLY COPY).

The authoritative reference and input builder live on the scoring server;
editing this copy changes nothing except your own understanding.
"""

import jax, jax.numpy as jnp
import numpy as np

B = 16384

def setup_inputs(seed: int = 0) -> dict:
    key = jax.random.key(seed)
    k1, k2 = jax.random.split(key)
    # x: first 15 columns are integer level encodings in [0,5), last 5 are object values.
    # Using randint for the whole tensor keeps indices in-range (values also land in [0,5)).
    x = jax.random.randint(k1, (B, 20), 0, 5).astype(jnp.float32)
    # learned parameter: nn.Embedding(5, 1) weight table
    level_embedding = jax.random.normal(k2, (5, 1), dtype=jnp.float32)
    return {"x": x, "level_embedding": level_embedding}

def reference(x, level_embedding):
    left_encode = x[:, 0:5].astype(jnp.int32)
    stay_encode = x[:, 5:10].astype(jnp.int32)
    right_encode = x[:, 10:15].astype(jnp.int32)
    object_values = x[:, 15:20]
    # embedding lookup (gather) + squeeze(-1)
    left_weights = jnp.take(level_embedding, left_encode, axis=0)[..., 0]
    stay_weights = jnp.take(level_embedding, stay_encode, axis=0)[..., 0]
    right_weights = jnp.take(level_embedding, right_encode, axis=0)[..., 0]
    left_atten = left_weights * object_values
    stay_atten = stay_weights * object_values
    right_atten = right_weights * object_values
    all_attn = jnp.stack([left_atten, stay_atten, right_atten], axis=1)  # [B, 3, 5]
    flat_attn = all_attn.reshape(-1, 5)
    # shared_branch: sum over features, keepdim
    q_flat = jnp.sum(flat_attn, axis=1, keepdims=True)
    q_values = q_flat.reshape(-1, 3)
    return q_values

if __name__ == "__main__":
    import jax
    _d = setup_inputs()
    print(jax.jit(kernel)(*tuple(_d.values())))

</pallas_src>

<mosaic_0001>
#map = affine_map<(d0, d1) -> (0, 0)>
#map1 = affine_map<(d0, d1) -> (0)>
module attributes {stable_mosaic.version = 14 : i64} {
  func.func @_body(%arg0: i32, %arg1: i32, %arg2: memref<20x16384xf32, #tpu.memory_space<hbm>>, %arg3: memref<5xf32, #tpu.memory_space<hbm>>, %arg4: memref<3x16384xf32, #tpu.memory_space<hbm>>, %arg5: memref<20x512xf32, #tpu.memory_space<vmem>>, %arg6: memref<5xf32, #tpu.memory_space<vmem>>, %arg7: memref<3x512xf32, #tpu.memory_space<vmem>>, %arg8: memref<!tpu.dma_semaphore, #tpu.memory_space<semaphore_mem>>, %arg9: memref<!tpu.dma_semaphore, #tpu.memory_space<semaphore_mem>>) attributes {dimension_semantics = [#tpu.dimension_semantics<core_parallel>, #tpu.dimension_semantics<subcore_parallel>], iteration_bounds = array<i64: 2, 16>, scalar_prefetch = 0 : i64, scratch_operands = 5 : i64, tpu.core_type = #tpu.core_type<sc_vector_subcore>, window_params = [{transform_indices = #map}, {transform_indices = #map1}, {transform_indices = #map}]} {
    %mul3A = arith.constant 2 : i32
    %mul3A_0 = arith.muli %arg1, %mul3A : i32
    %add3A = arith.addi %mul3A_0, %arg0 : i32
    %mul3A_1 = arith.constant 512 : i32
    %mul3A_2 = arith.muli %add3A, %mul3A_1 : i32
    %dma_start3A = arith.constant 0 : i32
    %dma_start3A_3 = arith.constant 0 : i32
    %dma_start3A_4 = tpu.memref_slice %arg5[%dma_start3A, %dma_start3A_3] : memref<20x512xf32, #tpu.memory_space<vmem>> -> memref<20x256xf32, #tpu.memory_space<vmem>>
    %dma_start3A_5 = arith.constant 0 : i32
    %dma_start3A_6 = tpu.memref_slice %arg2[%dma_start3A_5, %mul3A_2] : memref<20x16384xf32, #tpu.memory_space<hbm>> -> memref<20x256xf32, #tpu.memory_space<hbm>>
    %dma_start3A_7 = arith.constant 0 : i32
    %dma_start3A_8 = arith.constant 0 : i32
    %dma_start3A_9 = tpu.memref_slice %arg5[%dma_start3A_7, %dma_start3A_8] : memref<20x512xf32, #tpu.memory_space<vmem>> -> memref<20x256xf32, #tpu.memory_space<vmem>>
    %dma_start3A_10 = arith.constant 0 : i32
    %dma_start3A_11 = tpu.memref_slice %arg2[%dma_start3A_10, %mul3A_2] : memref<20x16384xf32, #tpu.memory_space<hbm>> -> memref<20x256xf32, #tpu.memory_space<hbm>>
    tpu.enqueue_dma source(%dma_start3A_11 : memref<20x256xf32, #tpu.memory_space<hbm>>) target(%dma_start3A_9 : memref<20x256xf32, #tpu.memory_space<vmem>>) target_semaphore(%arg8 : memref<!tpu.dma_semaphore, #tpu.memory_space<semaphore_mem>>)
    %add3A_12 = arith.constant 256 : i32
    %add3A_13 = arith.addi %mul3A_2, %add3A_12 : i32
    %dma_start3A_14 = arith.constant 0 : i32
    %dma_start3A_15 = arith.constant 256 : i32
    %dma_start3A_16 = tpu.memref_slice %arg5[%dma_start3A_14, %dma_start3A_15] : memref<20x512xf32, #tpu.memory_space<vmem>> -> memref<20x256xf32, #tpu.memory_space<vmem>>
    %dma_start3A_17 = arith.constant 0 : i32
    %dma_start3A_18 = tpu.memref_slice %arg2[%dma_start3A_17, %add3A_13] : memref<20x16384xf32, #tpu.memory_space<hbm>> -> memref<20x256xf32, #tpu.memory_space<hbm>>
    %dma_start3A_19 = arith.constant 0 : i32
    %dma_start3A_20 = arith.constant 256 : i32
    %dma_start3A_21 = tpu.memref_slice %arg5[%dma_start3A_19, %dma_start3A_20] : memref<20x512xf32, #tpu.memory_space<vmem>> -> memref<20x256xf32, #tpu.memory_space<vmem>>
    %dma_start3A_22 = arith.constant 0 : i32
    %dma_start3A_23 = tpu.memref_slice %arg2[%dma_start3A_22, %add3A_13] : memref<20x16384xf32, #tpu.memory_space<hbm>> -> memref<20x256xf32, #tpu.memory_space<hbm>>
    tpu.enqueue_dma source(%dma_start3A_23 : memref<20x256xf32, #tpu.memory_space<hbm>>) target(%dma_start3A_21 : memref<20x256xf32, #tpu.memory_space<vmem>>) target_semaphore(%arg9 : memref<!tpu.dma_semaphore, #tpu.memory_space<semaphore_mem>>)
    "tpu.region"() ({
      %run_scoped3A = tpu.sem_alloc : memref<!tpu.dma_semaphore, #tpu.memory_space<semaphore_mem>>
      tpu.enqueue_dma source(%arg3 : memref<5xf32, #tpu.memory_space<hbm>>) target(%arg6 : memref<5xf32, #tpu.memory_space<vmem>>) target_semaphore(%run_scoped3A : memref<!tpu.dma_semaphore, #tpu.memory_space<semaphore_mem>>)
      tpu.wait_dma2 semaphore(%run_scoped3A : memref<!tpu.dma_semaphore, #tpu.memory_space<semaphore_mem>>) src(%arg3 : memref<5xf32, #tpu.memory_space<hbm>>) dst(%arg6 : memref<5xf32, #tpu.memory_space<vmem>>)
      tpu.yield
    }) : () -> ()
    %dma_wait3A = arith.constant 0 : i32
    %dma_wait3A_24 = arith.constant 0 : i32
    %dma_wait3A_25 = tpu.memref_slice %arg5[%dma_wait3A, %dma_wait3A_24] : memref<20x512xf32, #tpu.memory_space<vmem>> -> memref<20x256xf32, #tpu.memory_space<vmem>>
    %dma_wait3A_26 = arith.constant 0 : i32
    %dma_wait3A_27 = tpu.memref_slice %arg2[%dma_wait3A_26, %mul3A_2] : memref<20x16384xf32, #tpu.memory_space<hbm>> -> memref<20x256xf32, #tpu.memory_space<hbm>>
    %dma_wait3A_28 = arith.constant 0 : i32
    %dma_wait3A_29 = arith.constant 0 : i32
    %dma_wait3A_30 = tpu.memref_slice %arg5[%dma_wait3A_28, %dma_wait3A_29] : memref<20x512xf32, #tpu.memory_space<vmem>> -> memref<20x256xf32, #tpu.memory_space<vmem>>
    %dma_wait3A_31 = arith.constant 0 : i32
    %dma_wait3A_32 = tpu.memref_slice %arg2[%dma_wait3A_31, %mul3A_2] : memref<20x16384xf32, #tpu.memory_space<hbm>> -> memref<20x256xf32, #tpu.memory_space<hbm>>
    tpu.wait_dma2 semaphore(%arg8 : memref<!tpu.dma_semaphore, #tpu.memory_space<semaphore_mem>>) src(%dma_wait3A_32 : memref<20x256xf32, #tpu.memory_space<hbm>>) dst(%dma_wait3A_30 : memref<20x256xf32, #tpu.memory_space<vmem>>)
    %parallel_loop3A = arith.constant 0 : i32
    %parallel_loop3A_33 = arith.constant 16 : i32
    %parallel_loop3A_34 = arith.constant 1 : i32
    scf.for %parallel_loop3A_48 = %parallel_loop3A to %parallel_loop3A_33 step %parallel_loop3A_34  : i32 {
      %parallel_loop3A_49 = arith.constant 16 : i32
      %parallel_loop3A_50 = arith.muli %parallel_loop3A_48, %parallel_loop3A_49 : i32
      %parallel_loop3A_51 = arith.constant 0 : i32
      %parallel_loop3A_52 = arith.index_cast %parallel_loop3A_51 : i32 to index
      %parallel_loop3A_53 = arith.index_cast %parallel_loop3A_50 : i32 to index
      %parallel_loop3A_54 = tpu.vector_load %arg5[%parallel_loop3A_52, %parallel_loop3A_53] {strides = array<i32>} : memref<20x512xf32, #tpu.memory_space<vmem>>, vector<16xf32>,
      %parallel_loop3A_55 = arith.constant 1 : i32
      %parallel_loop3A_56 = arith.index_cast %parallel_loop3A_55 : i32 to index
      %parallel_loop3A_57 = arith.index_cast %parallel_loop3A_50 : i32 to index
      %parallel_loop3A_58 = tpu.vector_load %arg5[%parallel_loop3A_56, %parallel_loop3A_57] {strides = array<i32>} : memref<20x512xf32, #tpu.memory_space<vmem>>, vector<16xf32>,
      %parallel_loop3A_59 = arith.constant 2 : i32
      %parallel_loop3A_60 = arith.index_cast %parallel_loop3A_59 : i32 to index
      %parallel_loop3A_61 = arith.index_cast %parallel_loop3A_50 : i32 to index
      %parallel_loop3A_62 = tpu.vector_load %arg5[%parallel_loop3A_60, %parallel_loop3A_61] {strides = array<i32>} : memref<20x512xf32, #tpu.memory_space<vmem>>, vector<16xf32>,
      %parallel_loop3A_63 = arith.constant 3 : i32
      %parallel_loop3A_64 = arith.index_cast %parallel_loop3A_63 : i32 to index
      %parallel_loop3A_65 = arith.index_cast %parallel_loop3A_50 : i32 to index
      %parallel_loop3A_66 = tpu.vector_load %arg5[%parallel_loop3A_64, %parallel_loop3A_65] {strides = array<i32>} : memref<20x512xf32, #tpu.memory_space<vmem>>, vector<16xf32>,
      %parallel_loop3A_67 = arith.constant 4 : i32
      %parallel_loop3A_68 = arith.index_cast %parallel_loop3A_67 : i32 to index
      %parallel_loop3A_69 = arith.index_cast %parallel_loop3A_50 : i32 to index
      %parallel_loop3A_70 = tpu.vector_load %arg5[%parallel_loop3A_68, %parallel_loop3A_69] {strides = array<i32>} : memref<20x512xf32, #tpu.memory_space<vmem>>, vector<16xf32>,
      %parallel_loop3A_71 = arith.constant 5 : i32
      %parallel_loop3A_72 = arith.index_cast %parallel_loop3A_71 : i32 to index
      %parallel_loop3A_73 = arith.index_cast %parallel_loop3A_50 : i32 to index
      %parallel_loop3A_74 = tpu.vector_load %arg5[%parallel_loop3A_72, %parallel_loop3A_73] {strides = array<i32>} : memref<20x512xf32, #tpu.memory_space<vmem>>, vector<16xf32>,
      %parallel_loop3A_75 = arith.constant 6 : i32
      %parallel_loop3A_76 = arith.index_cast %parallel_loop3A_75 : i32 to index
      %parallel_loop3A_77 = arith.index_cast %parallel_loop3A_50 : i32 to index
      %parallel_loop3A_78 = tpu.vector_load %arg5[%parallel_loop3A_76, %parallel_loop3A_77] {strides = array<i32>} : memref<20x512xf32, #tpu.memory_space<vmem>>, vector<16xf32>,
      %parallel_loop3A_79 = arith.constant 7 : i32
      %parallel_loop3A_80 = arith.index_cast %parallel_loop3A_79 : i32 to index
      %parallel_loop3A_81 = arith.index_cast %parallel_loop3A_50 : i32 to index
      %parallel_loop3A_82 = tpu.vector_load %arg5[%parallel_loop3A_80, %parallel_loop3A_81] {strides = array<i32>} : memref<20x512xf32, #tpu.memory_space<vmem>>, vector<16xf32>,
      %parallel_loop3A_83 = arith.constant 8 : i32
      %parallel_loop3A_84 = arith.index_cast %parallel_loop3A_83 : i32 to index
      %parallel_loop3A_85 = arith.index_cast %parallel_loop3A_50 : i32 to index
      %parallel_loop3A_86 = tpu.vector_load %arg5[%parallel_loop3A_84, %parallel_loop3A_85] {strides = array<i32>} : memref<20x512xf32, #tpu.memory_space<vmem>>, vector<16xf32>,
      %parallel_loop3A_87 = arith.constant 9 : i32
      %parallel_loop3A_88 = arith.index_cast %parallel_loop3A_87 : i32 to index
      %parallel_loop3A_89 = arith.index_cast %parallel_loop3A_50 : i32 to index
      %parallel_loop3A_90 = tpu.vector_load %arg5[%parallel_loop3A_88, %parallel_loop3A_89] {strides = array<i32>} : memref<20x512xf32, #tpu.memory_space<vmem>>, vector<16xf32>,
      %parallel_loop3A_91 = arith.constant 10 : i32
      %parallel_loop3A_92 = arith.index_cast %parallel_loop3A_91 : i32 to index
      %parallel_loop3A_93 = arith.index_cast %parallel_loop3A_50 : i32 to index
      %parallel_loop3A_94 = tpu.vector_load %arg5[%parallel_loop3A_92, %parallel_loop3A_93] {strides = array<i32>} : memref<20x512xf32, #tpu.memory_space<vmem>>, vector<16xf32>,
      %parallel_loop3A_95 = arith.constant 11 : i32
      %parallel_loop3A_96 = arith.index_cast %parallel_loop3A_95 : i32 to index
      %parallel_loop3A_97 = arith.index_cast %parallel_loop3A_50 : i32 to index
      %parallel_loop3A_98 = tpu.vector_load %arg5[%parallel_loop3A_96, %parallel_loop3A_97] {strides = array<i32>} : memref<20x512xf32, #tpu.memory_space<vmem>>, vector<16xf32>,
      %parallel_loop3A_99 = arith.constant 12 : i32
      %parallel_loop3A_100 = arith.index_cast %parallel_loop3A_99 : i32 to index
      %parallel_loop3A_101 = arith.index_cast %parallel_loop3A_50 : i32 to index
      %parallel_loop3A_102 = tpu.vector_load %arg5[%parallel_loop3A_100, %parallel_loop3A_101] {strides = array<i32>} : memref<20x512xf32, #tpu.memory_space<vmem>>, vector<16xf32>,
      %parallel_loop3A_103 = arith.constant 13 : i32
      %parallel_loop3A_104 = arith.index_cast %parallel_loop3A_103 : i32 to index
      %parallel_loop3A_105 = arith.index_cast %parallel_loop3A_50 : i32 to index
      %parallel_loop3A_106 = tpu.vector_load %arg5[%parallel_loop3A_104, %parallel_loop3A_105] {strides = array<i32>} : memref<20x512xf32, #tpu.memory_space<vmem>>, vector<16xf32>,
      %parallel_loop3A_107 = arith.constant 14 : i32
      %parallel_loop3A_108 = arith.index_cast %parallel_loop3A_107 : i32 to index
      %parallel_loop3A_109 = arith.index_cast %parallel_loop3A_50 : i32 to index
      %parallel_loop3A_110 = tpu.vector_load %arg5[%parallel_loop3A_108, %parallel_loop3A_109] {strides = array<i32>} : memref<20x512xf32, #tpu.memory_space<vmem>>, vector<16xf32>,
      %parallel_loop3A_111 = arith.constant 15 : i32
      %parallel_loop3A_112 = arith.index_cast %parallel_loop3A_111 : i32 to index
      %parallel_loop3A_113 = arith.index_cast %parallel_loop3A_50 : i32 to index
      %parallel_loop3A_114 = tpu.vector_load %arg5[%parallel_loop3A_112, %parallel_loop3A_113] {strides = array<i32>} : memref<20x512xf32, #tpu.memory_space<vmem>>, vector<16xf32>,
      %parallel_loop3A_115 = arith.constant 16 : i32
      %parallel_loop3A_116 = arith.index_cast %parallel_loop3A_115 : i32 to index
      %parallel_loop3A_117 = arith.index_cast %parallel_loop3A_50 : i32 to index
      %parallel_loop3A_118 = tpu.vector_load %arg5[%parallel_loop3A_116, %parallel_loop3A_117] {strides = array<i32>} : memref<20x512xf32, #tpu.memory_space<vmem>>, vector<16xf32>,
      %parallel_loop3A_119 = arith.constant 17 : i32
      %parallel_loop3A_120 = arith.index_cast %parallel_loop3A_119 : i32 to index
      %parallel_loop3A_121 = arith.index_cast %parallel_loop3A_50 : i32 to index
      %parallel_loop3A_122 = tpu.vector_load %arg5[%parallel_loop3A_120, %parallel_loop3A_121] {strides = array<i32>} : memref<20x512xf32, #tpu.memory_space<vmem>>, vector<16xf32>,
      %parallel_loop3A_123 = arith.constant 18 : i32
      %parallel_loop3A_124 = arith.index_cast %parallel_loop3A_123 : i32 to index
      %parallel_loop3A_125 = arith.index_cast %parallel_loop3A_50 : i32 to index
      %parallel_loop3A_126 = tpu.vector_load %arg5[%parallel_loop3A_124, %parallel_loop3A_125] {strides = array<i32>} : memref<20x512xf32, #tpu.memory_space<vmem>>, vector<16xf32>,
      %parallel_loop3A_127 = arith.constant 19 : i32
      %parallel_loop3A_128 = arith.index_cast %parallel_loop3A_127 : i32 to index
      %parallel_loop3A_129 = arith.index_cast %parallel_loop3A_50 : i32 to index
      %parallel_loop3A_130 = tpu.vector_load %arg5[%parallel_loop3A_128, %parallel_loop3A_129] {strides = array<i32>} : memref<20x512xf32, #tpu.memory_space<vmem>>, vector<16xf32>,
      %parallel_loop3A_131 = arith.fptosi %parallel_loop3A_54 : vector<16xf32> to vector<16xi32>
      %parallel_loop3A_132 = tpu.vector_load_idx %arg6[%parallel_loop3A_131] : memref<5xf32, #tpu.memory_space<vmem>>[vector<16xi32>], vector<16xf32>,
      %parallel_loop3A_133 = arith.mulf %parallel_loop3A_132, %parallel_loop3A_114 : vector<16xf32>
      %parallel_loop3A_134 = arith.fptosi %parallel_loop3A_58 : vector<16xf32> to vector<16xi32>
      %parallel_loop3A_135 = tpu.vector_load_idx %arg6[%parallel_loop3A_134] : memref<5xf32, #tpu.memory_space<vmem>>[vector<16xi32>], vector<16xf32>,
      %parallel_loop3A_136 = arith.mulf %parallel_loop3A_135, %parallel_loop3A_118 : vector<16xf32>
      %parallel_loop3A_137 = arith.addf %parallel_loop3A_133, %parallel_loop3A_136 : vector<16xf32>
      %parallel_loop3A_138 = arith.fptosi %parallel_loop3A_62 : vector<16xf32> to vector<16xi32>
      %parallel_loop3A_139 = tpu.vector_load_idx %arg6[%parallel_loop3A_138] : memref<5xf32, #tpu.memory_space<vmem>>[vector<16xi32>], vector<16xf32>,
      %parallel_loop3A_140 = arith.mulf %parallel_loop3A_139, %parallel_loop3A_122 : vector<16xf32>
      %parallel_loop3A_141 = arith.addf %parallel_loop3A_137, %parallel_loop3A_140 : vector<16xf32>
      %parallel_loop3A_142 = arith.fptosi %parallel_loop3A_66 : vector<16xf32> to vector<16xi32>
      %parallel_loop3A_143 = tpu.vector_load_idx %arg6[%parallel_loop3A_142] : memref<5xf32, #tpu.memory_space<vmem>>[vector<16xi32>], vector<16xf32>,
      %parallel_loop3A_144 = arith.mulf %parallel_loop3A_143, %parallel_loop3A_126 : vector<16xf32>
      %parallel_loop3A_145 = arith.addf %parallel_loop3A_141, %parallel_loop3A_144 : vector<16xf32>
      %parallel_loop3A_146 = arith.fptosi %parallel_loop3A_70 : vector<16xf32> to vector<16xi32>
      %parallel_loop3A_147 = tpu.vector_load_idx %arg6[%parallel_loop3A_146] : memref<5xf32, #tpu.memory_space<vmem>>[vector<16xi32>], vector<16xf32>,
      %parallel_loop3A_148 = arith.mulf %parallel_loop3A_147, %parallel_loop3A_130 : vector<16xf32>
      %parallel_loop3A_149 = arith.addf %parallel_loop3A_145, %parallel_loop3A_148 : vector<16xf32>
      %parallel_loop3A_150 = arith.constant 0 : i32
      %parallel_loop3A_151 = arith.index_cast %parallel_loop3A_150 : i32 to index
      %parallel_loop3A_152 = arith.index_cast %parallel_loop3A_50 : i32 to index
      %parallel_loop3A_153 = tpu.vector_load %arg7[%parallel_loop3A_151, %parallel_loop3A_152] {strides = array<i32>} : memref<3x512xf32, #tpu.memory_space<vmem>>, vector<16xf32>,
      tpu.vector_store %arg7[%parallel_loop3A_151, %parallel_loop3A_152], %parallel_loop3A_149 {strides = array<i32>} : memref<3x512xf32, #tpu.memory_space<vmem>>, vector<16xf32>,
      %parallel_loop3A_154 = arith.fptosi %parallel_loop3A_74 : vector<16xf32> to vector<16xi32>
      %parallel_loop3A_155 = tpu.vector_load_idx %arg6[%parallel_loop3A_154] : memref<5xf32, #tpu.memory_space<vmem>>[vector<16xi32>], vector<16xf32>,
      %parallel_loop3A_156 = arith.mulf %parallel_loop3A_155, %parallel_loop3A_114 : vector<16xf32>
      %parallel_loop3A_157 = arith.fptosi %parallel_loop3A_78 : vector<16xf32> to vector<16xi32>
      %parallel_loop3A_158 = tpu.vector_load_idx %arg6[%parallel_loop3A_157] : memref<5xf32, #tpu.memory_space<vmem>>[vector<16xi32>], vector<16xf32>,
      %parallel_loop3A_159 = arith.mulf %parallel_loop3A_158, %parallel_loop3A_118 : vector<16xf32>
      %parallel_loop3A_160 = arith.addf %parallel_loop3A_156, %parallel_loop3A_159 : vector<16xf32>
      %parallel_loop3A_161 = arith.fptosi %parallel_loop3A_82 : vector<16xf32> to vector<16xi32>
      %parallel_loop3A_162 = tpu.vector_load_idx %arg6[%parallel_loop3A_161] : memref<5xf32, #tpu.memory_space<vmem>>[vector<16xi32>], vector<16xf32>,
      %parallel_loop3A_163 = arith.mulf %parallel_loop3A_162, %parallel_loop3A_122 : vector<16xf32>
      %parallel_loop3A_164 = arith.addf %parallel_loop3A_160, %parallel_loop3A_163 : vector<16xf32>
      %parallel_loop3A_165 = arith.fptosi %parallel_loop3A_86 : vector<16xf32> to vector<16xi32>
      %parallel_loop3A_166 = tpu.vector_load_idx %arg6[%parallel_loop3A_165] : memref<5xf32, #tpu.memory_space<vmem>>[vector<16xi32>], vector<16xf32>,
      %parallel_loop3A_167 = arith.mulf %parallel_loop3A_166, %parallel_loop3A_126 : vector<16xf32>
      %parallel_loop3A_168 = arith.addf %parallel_loop3A_164, %parallel_loop3A_167 : vector<16xf32>
      %parallel_loop3A_169 = arith.fptosi %parallel_loop3A_90 : vector<16xf32> to vector<16xi32>
      %parallel_loop3A_170 = tpu.vector_load_idx %arg6[%parallel_loop3A_169] : memref<5xf32, #tpu.memory_space<vmem>>[vector<16xi32>], vector<16xf32>,
      %parallel_loop3A_171 = arith.mulf %parallel_loop3A_170, %parallel_loop3A_130 : vector<16xf32>
      %parallel_loop3A_172 = arith.addf %parallel_loop3A_168, %parallel_loop3A_171 : vector<16xf32>
      %parallel_loop3A_173 = arith.constant 1 : i32
      %parallel_loop3A_174 = arith.index_cast %parallel_loop3A_173 : i32 to index
      %parallel_loop3A_175 = arith.index_cast %parallel_loop3A_50 : i32 to index
      %parallel_loop3A_176 = tpu.vector_load %arg7[%parallel_loop3A_174, %parallel_loop3A_175] {strides = array<i32>} : memref<3x512xf32, #tpu.memory_space<vmem>>, vector<16xf32>,
      tpu.vector_store %arg7[%parallel_loop3A_174, %parallel_loop3A_175], %parallel_loop3A_172 {strides = array<i32>} : memref<3x512xf32, #tpu.memory_space<vmem>>, vector<16xf32>,
      %parallel_loop3A_177 = arith.fptosi %parallel_loop3A_94 : vector<16xf32> to vector<16xi32>
      %parallel_loop3A_178 = tpu.vector_load_idx %arg6[%parallel_loop3A_177] : memref<5xf32, #tpu.memory_space<vmem>>[vector<16xi32>], vector<16xf32>,
      %parallel_loop3A_179 = arith.mulf %parallel_loop3A_178, %parallel_loop3A_114 : vector<16xf32>
      %parallel_loop3A_180 = arith.fptosi %parallel_loop3A_98 : vector<16xf32> to vector<16xi32>
      %parallel_loop3A_181 = tpu.vector_load_idx %arg6[%parallel_loop3A_180] : memref<5xf32, #tpu.memory_space<vmem>>[vector<16xi32>], vector<16xf32>,
      %parallel_loop3A_182 = arith.mulf %parallel_loop3A_181, %parallel_loop3A_118 : vector<16xf32>
      %parallel_loop3A_183 = arith.addf %parallel_loop3A_179, %parallel_loop3A_182 : vector<16xf32>
      %parallel_loop3A_184 = arith.fptosi %parallel_loop3A_102 : vector<16xf32> to vector<16xi32>
      %parallel_loop3A_185 = tpu.vector_load_idx %arg6[%parallel_loop3A_184] : memref<5xf32, #tpu.memory_space<vmem>>[vector<16xi32>], vector<16xf32>,
      %parallel_loop3A_186 = arith.mulf %parallel_loop3A_185, %parallel_loop3A_122 : vector<16xf32>
      %parallel_loop3A_187 = arith.addf %parallel_loop3A_183, %parallel_loop3A_186 : vector<16xf32>
      %parallel_loop3A_188 = arith.fptosi %parallel_loop3A_106 : vector<16xf32> to vector<16xi32>
      %parallel_loop3A_189 = tpu.vector_load_idx %arg6[%parallel_loop3A_188] : memref<5xf32, #tpu.memory_space<vmem>>[vector<16xi32>], vector<16xf32>,
      %parallel_loop3A_190 = arith.mulf %parallel_loop3A_189, %parallel_loop3A_126 : vector<16xf32>
      %parallel_loop3A_191 = arith.addf %parallel_loop3A_187, %parallel_loop3A_190 : vector<16xf32>
      %parallel_loop3A_192 = arith.fptosi %parallel_loop3A_110 : vector<16xf32> to vector<16xi32>
      %parallel_loop3A_193 = tpu.vector_load_idx %arg6[%parallel_loop3A_192] : memref<5xf32, #tpu.memory_space<vmem>>[vector<16xi32>], vector<16xf32>,
      %parallel_loop3A_194 = arith.mulf %parallel_loop3A_193, %parallel_loop3A_130 : vector<16xf32>
      %parallel_loop3A_195 = arith.addf %parallel_loop3A_191, %parallel_loop3A_194 : vector<16xf32>
      %parallel_loop3A_196 = arith.constant 2 : i32
      %parallel_loop3A_197 = arith.index_cast %parallel_loop3A_196 : i32 to index
      %parallel_loop3A_198 = arith.index_cast %parallel_loop3A_50 : i32 to index
      %parallel_loop3A_199 = tpu.vector_load %arg7[%parallel_loop3A_197, %parallel_loop3A_198] {strides = array<i32>} : memref<3x512xf32, #tpu.memory_space<vmem>>, vector<16xf32>,
      tpu.vector_store %arg7[%parallel_loop3A_197, %parallel_loop3A_198], %parallel_loop3A_195 {strides = array<i32>} : memref<3x512xf32, #tpu.memory_space<vmem>>, vector<16xf32>,
    } {sc.loop_unroll_factor = 2 : i64, sc.parallel_access}
    %dma_wait3A_35 = arith.constant 0 : i32
    %dma_wait3A_36 = arith.constant 256 : i32
    %dma_wait3A_37 = tpu.memref_slice %arg5[%dma_wait3A_35, %dma_wait3A_36] : memref<20x512xf32, #tpu.memory_space<vmem>> -> memref<20x256xf32, #tpu.memory_space<vmem>>
    %dma_wait3A_38 = arith.constant 0 : i32
    %dma_wait3A_39 = tpu.memref_slice %arg2[%dma_wait3A_38, %add3A_13] : memref<20x16384xf32, #tpu.memory_space<hbm>> -> memref<20x256xf32, #tpu.memory_space<hbm>>
    %dma_wait3A_40 = arith.constant 0 : i32
    %dma_wait3A_41 = arith.constant 256 : i32
    %dma_wait3A_42 = tpu.memref_slice %arg5[%dma_wait3A_40, %dma_wait3A_41] : memref<20x512xf32, #tpu.memory_space<vmem>> -> memref<20x256xf32, #tpu.memory_space<vmem>>
    %dma_wait3A_43 = arith.constant 0 : i32
    %dma_wait3A_44 = tpu.memref_slice %arg2[%dma_wait3A_43, %add3A_13] : memref<20x16384xf32, #tpu.memory_space<hbm>> -> memref<20x256xf32, #tpu.memory_space<hbm>>
    tpu.wait_dma2 semaphore(%arg9 : memref<!tpu.dma_semaphore, #tpu.memory_space<semaphore_mem>>) src(%dma_wait3A_44 : memref<20x256xf32, #tpu.memory_space<hbm>>) dst(%dma_wait3A_42 : memref<20x256xf32, #tpu.memory_space<vmem>>)
    %parallel_loop3A_45 = arith.constant 16 : i32
    %parallel_loop3A_46 = arith.constant 32 : i32
    %parallel_loop3A_47 = arith.constant 1 : i32
    scf.for %parallel_loop3A_48 = %parallel_loop3A_45 to %parallel_loop3A_46 step %parallel_loop3A_47  : i32 {
      %parallel_loop3A_49 = arith.constant 16 : i32
      %parallel_loop3A_50 = arith.muli %parallel_loop3A_48, %parallel_loop3A_49 : i32
      %parallel_loop3A_51 = arith.constant 0 : i32
      %parallel_loop3A_52 = arith.index_cast %parallel_loop3A_51 : i32 to index
      %parallel_loop3A_53 = arith.index_cast %parallel_loop3A_50 : i32 to index
      %parallel_loop3A_54 = tpu.vector_load %arg5[%parallel_loop3A_52, %parallel_loop3A_53] {strides = array<i32>} : memref<20x512xf32, #tpu.memory_space<vmem>>, vector<16xf32>,
      %parallel_loop3A_55 = arith.constant 1 : i32
      %parallel_loop3A_56 = arith.index_cast %parallel_loop3A_55 : i32 to index
      %parallel_loop3A_57 = arith.index_cast %parallel_loop3A_50 : i32 to index
      %parallel_loop3A_58 = tpu.vector_load %arg5[%parallel_loop3A_56, %parallel_loop3A_57] {strides = array<i32>} : memref<20x512xf32, #tpu.memory_space<vmem>>, vector<16xf32>,
      %parallel_loop3A_59 = arith.constant 2 : i32
      %parallel_loop3A_60 = arith.index_cast %parallel_loop3A_59 : i32 to index
      %parallel_loop3A_61 = arith.index_cast %parallel_loop3A_50 : i32 to index
      %parallel_loop3A_62 = tpu.vector_load %arg5[%parallel_loop3A_60, %parallel_loop3A_61] {strides = array<i32>} : memref<20x512xf32, #tpu.memory_space<vmem>>, vector<16xf32>,
      %parallel_loop3A_63 = arith.constant 3 : i32
      %parallel_loop3A_64 = arith.index_cast %parallel_loop3A_63 : i32 to index
      %parallel_loop3A_65 = arith.index_cast %parallel_loop3A_50 : i32 to index
      %parallel_loop3A_66 = tpu.vector_load %arg5[%parallel_loop3A_64, %parallel_loop3A_65] {strides = array<i32>} : memref<20x512xf32, #tpu.memory_space<vmem>>, vector<16xf32>,
      %parallel_loop3A_67 = arith.constant 4 : i32
      %parallel_loop3A_68 = arith.index_cast %parallel_loop3A_67 : i32 to index
      %parallel_loop3A_69 = arith.index_cast %parallel_loop3A_50 : i32 to index
      %parallel_loop3A_70 = tpu.vector_load %arg5[%parallel_loop3A_68, %parallel_loop3A_69] {strides = array<i32>} : memref<20x512xf32, #tpu.memory_space<vmem>>, vector<16xf32>,
      %parallel_loop3A_71 = arith.constant 5 : i32
      %parallel_loop3A_72 = arith.index_cast %parallel_loop3A_71 : i32 to index
      %parallel_loop3A_73 = arith.index_cast %parallel_loop3A_50 : i32 to index
      %parallel_loop3A_74 = tpu.vector_load %arg5[%parallel_loop3A_72, %parallel_loop3A_73] {strides = array<i32>} : memref<20x512xf32, #tpu.memory_space<vmem>>, vector<16xf32>,
      %parallel_loop3A_75 = arith.constant 6 : i32
      %parallel_loop3A_76 = arith.index_cast %parallel_loop3A_75 : i32 to index
      %parallel_loop3A_77 = arith.index_cast %parallel_loop3A_50 : i32 to index
      %parallel_loop3A_78 = tpu.vector_load %arg5[%parallel_loop3A_76, %parallel_loop3A_77] {strides = array<i32>} : memref<20x512xf32, #tpu.memory_space<vmem>>, vector<16xf32>,
      %parallel_loop3A_79 = arith.constant 7 : i32
      %parallel_loop3A_80 = arith.index_cast %parallel_loop3A_79 : i32 to index
      %parallel_loop3A_81 = arith.index_cast %parallel_loop3A_50 : i32 to index
      %parallel_loop3A_82 = tpu.vector_load %arg5[%parallel_loop3A_80, %parallel_loop3A_81] {strides = array<i32>} : memref<20x512xf32, #tpu.memory_space<vmem>>, vector<16xf32>,
      %parallel_loop3A_83 = arith.constant 8 : i32
      %parallel_loop3A_84 = arith.index_cast %parallel_loop3A_83 : i32 to index
      %parallel_loop3A_85 = arith.index_cast %parallel_loop3A_50 : i32 to index
      %parallel_loop3A_86 = tpu.vector_load %arg5[%parallel_loop3A_84, %parallel_loop3A_85] {strides = array<i32>} : memref<20x512xf32, #tpu.memory_space<vmem>>, vector<16xf32>,
      %parallel_loop3A_87 = arith.constant 9 : i32
      %parallel_loop3A_88 = arith.index_cast %parallel_loop3A_87 : i32 to index
      %parallel_loop3A_89 = arith.index_cast %parallel_loop3A_50 : i32 to index
      %parallel_loop3A_90 = tpu.vector_load %arg5[%parallel_loop3A_88, %parallel_loop3A_89] {strides = array<i32>} : memref<20x512xf32, #tpu.memory_space<vmem>>, vector<16xf32>,
      %parallel_loop3A_91 = arith.constant 10 : i32
      %parallel_loop3A_92 = arith.index_cast %parallel_loop3A_91 : i32 to index
      %parallel_loop3A_93 = arith.index_cast %parallel_loop3A_50 : i32 to index
      %parallel_loop3A_94 = tpu.vector_load %arg5[%parallel_loop3A_92, %parallel_loop3A_93] {strides = array<i32>} : memref<20x512xf32, #tpu.memory_space<vmem>>, vector<16xf32>,
      %parallel_loop3A_95 = arith.constant 11 : i32
      %parallel_loop3A_96 = arith.index_cast %parallel_loop3A_95 : i32 to index
      %parallel_loop3A_97 = arith.index_cast %parallel_loop3A_50 : i32 to index
      %parallel_loop3A_98 = tpu.vector_load %arg5[%parallel_loop3A_96, %parallel_loop3A_97] {strides = array<i32>} : memref<20x512xf32, #tpu.memory_space<vmem>>, vector<16xf32>,
      %parallel_loop3A_99 = arith.constant 12 : i32
      %parallel_loop3A_100 = arith.index_cast %parallel_loop3A_99 : i32 to index
      %parallel_loop3A_101 = arith.index_cast %parallel_loop3A_50 : i32 to index
      %parallel_loop3A_102 = tpu.vector_load %arg5[%parallel_loop3A_100, %parallel_loop3A_101] {strides = array<i32>} : memref<20x512xf32, #tpu.memory_space<vmem>>, vector<16xf32>,
      %parallel_loop3A_103 = arith.constant 13 : i32
      %parallel_loop3A_104 = arith.index_cast %parallel_loop3A_103 : i32 to index
      %parallel_loop3A_105 = arith.index_cast %parallel_loop3A_50 : i32 to index
      %parallel_loop3A_106 = tpu.vector_load %arg5[%parallel_loop3A_104, %parallel_loop3A_105] {strides = array<i32>} : memref<20x512xf32, #tpu.memory_space<vmem>>, vector<16xf32>,
      %parallel_loop3A_107 = arith.constant 14 : i32
      %parallel_loop3A_108 = arith.index_cast %parallel_loop3A_107 : i32 to index
      %parallel_loop3A_109 = arith.index_cast %parallel_loop3A_50 : i32 to index
      %parallel_loop3A_110 = tpu.vector_load %arg5[%parallel_loop3A_108, %parallel_loop3A_109] {strides = array<i32>} : memref<20x512xf32, #tpu.memory_space<vmem>>, vector<16xf32>,
      %parallel_loop3A_111 = arith.constant 15 : i32
      %parallel_loop3A_112 = arith.index_cast %parallel_loop3A_111 : i32 to index
      %parallel_loop3A_113 = arith.index_cast %parallel_loop3A_50 : i32 to index
      %parallel_loop3A_114 = tpu.vector_load %arg5[%parallel_loop3A_112, %parallel_loop3A_113] {strides = array<i32>} : memref<20x512xf32, #tpu.memory_space<vmem>>, vector<16xf32>,
      %parallel_loop3A_115 = arith.constant 16 : i32
      %parallel_loop3A_116 = arith.index_cast %parallel_loop3A_115 : i32 to index
      %parallel_loop3A_117 = arith.index_cast %parallel_loop3A_50 : i32 to index
      %parallel_loop3A_118 = tpu.vector_load %arg5[%parallel_loop3A_116, %parallel_loop3A_117] {strides = array<i32>} : memref<20x512xf32, #tpu.memory_space<vmem>>, vector<16xf32>,
      %parallel_loop3A_119 = arith.constant 17 : i32
      %parallel_loop3A_120 = arith.index_cast %parallel_loop3A_119 : i32 to index
      %parallel_loop3A_121 = arith.index_cast %parallel_loop3A_50 : i32 to index
      %parallel_loop3A_122 = tpu.vector_load %arg5[%parallel_loop3A_120, %parallel_loop3A_121] {strides = array<i32>} : memref<20x512xf32, #tpu.memory_space<vmem>>, vector<16xf32>,
      %parallel_loop3A_123 = arith.constant 18 : i32
      %parallel_loop3A_124 = arith.index_cast %parallel_loop3A_123 : i32 to index
      %parallel_loop3A_125 = arith.index_cast %parallel_loop3A_50 : i32 to index
      %parallel_loop3A_126 = tpu.vector_load %arg5[%parallel_loop3A_124, %parallel_loop3A_125] {strides = array<i32>} : memref<20x512xf32, #tpu.memory_space<vmem>>, vector<16xf32>,
      %parallel_loop3A_127 = arith.constant 19 : i32
      %parallel_loop3A_128 = arith.index_cast %parallel_loop3A_127 : i32 to index
      %parallel_loop3A_129 = arith.index_cast %parallel_loop3A_50 : i32 to index
      %parallel_loop3A_130 = tpu.vector_load %arg5[%parallel_loop3A_128, %parallel_loop3A_129] {strides = array<i32>} : memref<20x512xf32, #tpu.memory_space<vmem>>, vector<16xf32>,
      %parallel_loop3A_131 = arith.fptosi %parallel_loop3A_54 : vector<16xf32> to vector<16xi32>
      %parallel_loop3A_132 = tpu.vector_load_idx %arg6[%parallel_loop3A_131] : memref<5xf32, #tpu.memory_space<vmem>>[vector<16xi32>], vector<16xf32>,
      %parallel_loop3A_133 = arith.mulf %parallel_loop3A_132, %parallel_loop3A_114 : vector<16xf32>
      %parallel_loop3A_134 = arith.fptosi %parallel_loop3A_58 : vector<16xf32> to vector<16xi32>
      %parallel_loop3A_135 = tpu.vector_load_idx %arg6[%parallel_loop3A_134] : memref<5xf32, #tpu.memory_space<vmem>>[vector<16xi32>], vector<16xf32>,
      %parallel_loop3A_136 = arith.mulf %parallel_loop3A_135, %parallel_loop3A_118 : vector<16xf32>
      %parallel_loop3A_137 = arith.addf %parallel_loop3A_133, %parallel_loop3A_136 : vector<16xf32>
      %parallel_loop3A_138 = arith.fptosi %parallel_loop3A_62 : vector<16xf32> to vector<16xi32>
      %parallel_loop3A_139 = tpu.vector_load_idx %arg6[%parallel_loop3A_138] : memref<5xf32, #tpu.memory_space<vmem>>[vector<16xi32>], vector<16xf32>,
      %parallel_loop3A_140 = arith.mulf %parallel_loop3A_139, %parallel_loop3A_122 : vector<16xf32>
      %parallel_loop3A_141 = arith.addf %parallel_loop3A_137, %parallel_loop3A_140 : vector<16xf32>
      %parallel_loop3A_142 = arith.fptosi %parallel_loop3A_66 : vector<16xf32> to vector<16xi32>
      %parallel_loop3A_143 = tpu.vector_load_idx %arg6[%parallel_loop3A_142] : memref<5xf32, #tpu.memory_space<vmem>>[vector<16xi32>], vector<16xf32>,
      %parallel_loop3A_144 = arith.mulf %parallel_loop3A_143, %parallel_loop3A_126 : vector<16xf32>
      %parallel_loop3A_145 = arith.addf %parallel_loop3A_141, %parallel_loop3A_144 : vector<16xf32>
      %parallel_loop3A_146 = arith.fptosi %parallel_loop3A_70 : vector<16xf32> to vector<16xi32>
      %parallel_loop3A_147 = tpu.vector_load_idx %arg6[%parallel_loop3A_146] : memref<5xf32, #tpu.memory_space<vmem>>[vector<16xi32>], vector<16xf32>,
      %parallel_loop3A_148 = arith.mulf %parallel_loop3A_147, %parallel_loop3A_130 : vector<16xf32>
      %parallel_loop3A_149 = arith.addf %parallel_loop3A_145, %parallel_loop3A_148 : vector<16xf32>
      %parallel_loop3A_150 = arith.constant 0 : i32
      %parallel_loop3A_151 = arith.index_cast %parallel_loop3A_150 : i32 to index
      %parallel_loop3A_152 = arith.index_cast %parallel_loop3A_50 : i32 to index
      %parallel_loop3A_153 = tpu.vector_load %arg7[%parallel_loop3A_151, %parallel_loop3A_152] {strides = array<i32>} : memref<3x512xf32, #tpu.memory_space<vmem>>, vector<16xf32>,
      tpu.vector_store %arg7[%parallel_loop3A_151, %parallel_loop3A_152], %parallel_loop3A_149 {strides = array<i32>} : memref<3x512xf32, #tpu.memory_space<vmem>>, vector<16xf32>,
      %parallel_loop3A_154 = arith.fptosi %parallel_loop3A_74 : vector<16xf32> to vector<16xi32>
      %parallel_loop3A_155 = tpu.vector_load_idx %arg6[%parallel_loop3A_154] : memref<5xf32, #tpu.memory_space<vmem>>[vector<16xi32>], vector<16xf32>,
      %parallel_loop3A_156 = arith.mulf %parallel_loop3A_155, %parallel_loop3A_114 : vector<16xf32>
      %parallel_loop3A_157 = arith.fptosi %parallel_loop3A_78 : vector<16xf32> to vector<16xi32>
      %parallel_loop3A_158 = tpu.vector_load_idx %arg6[%parallel_loop3A_157] : memref<5xf32, #tpu.memory_space<vmem>>[vector<16xi32>], vector<16xf32>,
      %parallel_loop3A_159 = arith.mulf %parallel_loop3A_158, %parallel_loop3A_118 : vector<16xf32>
      %parallel_loop3A_160 = arith.addf %parallel_loop3A_156, %parallel_loop3A_159 : vector<16xf32>
      %parallel_loop3A_161 = arith.fptosi %parallel_loop3A_82 : vector<16xf32> to vector<16xi32>
      %parallel_loop3A_162 = tpu.vector_load_idx %arg6[%parallel_loop3A_161] : memref<5xf32, #tpu.memory_space<vmem>>[vector<16xi32>], vector<16xf32>,
      %parallel_loop3A_163 = arith.mulf %parallel_loop3A_162, %parallel_loop3A_122 : vector<16xf32>
      %parallel_loop3A_164 = arith.addf %parallel_loop3A_160, %parallel_loop3A_163 : vector<16xf32>
      %parallel_loop3A_165 = arith.fptosi %parallel_loop3A_86 : vector<16xf32> to vector<16xi32>
      %parallel_loop3A_166 = tpu.vector_load_idx %arg6[%parallel_loop3A_165] : memref<5xf32, #tpu.memory_space<vmem>>[vector<16xi32>], vector<16xf32>,
      %parallel_loop3A_167 = arith.mulf %parallel_loop3A_166, %parallel_loop3A_126 : vector<16xf32>
      %parallel_loop3A_168 = arith.addf %parallel_loop3A_164, %parallel_loop3A_167 : vector<16xf32>
      %parallel_loop3A_169 = arith.fptosi %parallel_loop3A_90 : vector<16xf32> to vector<16xi32>
      %parallel_loop3A_170 = tpu.vector_load_idx %arg6[%parallel_loop3A_169] : memref<5xf32, #tpu.memory_space<vmem>>[vector<16xi32>], vector<16xf32>,
      %parallel_loop3A_171 = arith.mulf %parallel_loop3A_170, %parallel_loop3A_130 : vector<16xf32>
      %parallel_loop3A_172 = arith.addf %parallel_loop3A_168, %parallel_loop3A_171 : vector<16xf32>
      %parallel_loop3A_173 = arith.constant 1 : i32
      %parallel_loop3A_174 = arith.index_cast %parallel_loop3A_173 : i32 to index
      %parallel_loop3A_175 = arith.index_cast %parallel_loop3A_50 : i32 to index
      %parallel_loop3A_176 = tpu.vector_load %arg7[%parallel_loop3A_174, %parallel_loop3A_175] {strides = array<i32>} : memref<3x512xf32, #tpu.memory_space<vmem>>, vector<16xf32>,
      tpu.vector_store %arg7[%parallel_loop3A_174, %parallel_loop3A_175], %parallel_loop3A_172 {strides = array<i32>} : memref<3x512xf32, #tpu.memory_space<vmem>>, vector<16xf32>,
      %parallel_loop3A_177 = arith.fptosi %parallel_loop3A_94 : vector<16xf32> to vector<16xi32>
      %parallel_loop3A_178 = tpu.vector_load_idx %arg6[%parallel_loop3A_177] : memref<5xf32, #tpu.memory_space<vmem>>[vector<16xi32>], vector<16xf32>,
      %parallel_loop3A_179 = arith.mulf %parallel_loop3A_178, %parallel_loop3A_114 : vector<16xf32>
      %parallel_loop3A_180 = arith.fptosi %parallel_loop3A_98 : vector<16xf32> to vector<16xi32>
      %parallel_loop3A_181 = tpu.vector_load_idx %arg6[%parallel_loop3A_180] : memref<5xf32, #tpu.memory_space<vmem>>[vector<16xi32>], vector<16xf32>,
      %parallel_loop3A_182 = arith.mulf %parallel_loop3A_181, %parallel_loop3A_118 : vector<16xf32>
      %parallel_loop3A_183 = arith.addf %parallel_loop3A_179, %parallel_loop3A_182 : vector<16xf32>
      %parallel_loop3A_184 = arith.fptosi %parallel_loop3A_102 : vector<16xf32> to vector<16xi32>
      %parallel_loop3A_185 = tpu.vector_load_idx %arg6[%parallel_loop3A_184] : memref<5xf32, #tpu.memory_space<vmem>>[vector<16xi32>], vector<16xf32>,
      %parallel_loop3A_186 = arith.mulf %parallel_loop3A_185, %parallel_loop3A_122 : vector<16xf32>
      %parallel_loop3A_187 = arith.addf %parallel_loop3A_183, %parallel_loop3A_186 : vector<16xf32>
      %parallel_loop3A_188 = arith.fptosi %parallel_loop3A_106 : vector<16xf32> to vector<16xi32>
      %parallel_loop3A_189 = tpu.vector_load_idx %arg6[%parallel_loop3A_188] : memref<5xf32, #tpu.memory_space<vmem>>[vector<16xi32>], vector<16xf32>,
      %parallel_loop3A_190 = arith.mulf %parallel_loop3A_189, %parallel_loop3A_126 : vector<16xf32>
      %parallel_loop3A_191 = arith.addf %parallel_loop3A_187, %parallel_loop3A_190 : vector<16xf32>
      %parallel_loop3A_192 = arith.fptosi %parallel_loop3A_110 : vector<16xf32> to vector<16xi32>
      %parallel_loop3A_193 = tpu.vector_load_idx %arg6[%parallel_loop3A_192] : memref<5xf32, #tpu.memory_space<vmem>>[vector<16xi32>], vector<16xf32>,
      %parallel_loop3A_194 = arith.mulf %parallel_loop3A_193, %parallel_loop3A_130 : vector<16xf32>
      %parallel_loop3A_195 = arith.addf %parallel_loop3A_191, %parallel_loop3A_194 : vector<16xf32>
      %parallel_loop3A_196 = arith.constant 2 : i32
      %parallel_loop3A_197 = arith.index_cast %parallel_loop3A_196 : i32 to index
      %parallel_loop3A_198 = arith.index_cast %parallel_loop3A_50 : i32 to index
      %parallel_loop3A_199 = tpu.vector_load %arg7[%parallel_loop3A_197, %parallel_loop3A_198] {strides = array<i32>} : memref<3x512xf32, #tpu.memory_space<vmem>>, vector<16xf32>,
      tpu.vector_store %arg7[%parallel_loop3A_197, %parallel_loop3A_198], %parallel_loop3A_195 {strides = array<i32>} : memref<3x512xf32, #tpu.memory_space<vmem>>, vector<16xf32>,
    } {sc.loop_unroll_factor = 2 : i64, sc.parallel_access}
    "tpu.region"() ({
      %run_scoped3A = tpu.sem_alloc : memref<!tpu.dma_semaphore, #tpu.memory_space<semaphore_mem>>
      %dma_start3A_48 = arith.constant 0 : i32
      %dma_start3A_49 = tpu.memref_slice %arg4[%dma_start3A_48, %mul3A_2] : memref<3x16384xf32, #tpu.memory_space<hbm>> -> memref<3x512xf32, #tpu.memory_space<hbm>>
      %dma_start3A_50 = arith.constant 0 : i32
      %dma_start3A_51 = tpu.memref_slice %arg4[%dma_start3A_50, %mul3A_2] : memref<3x16384xf32, #tpu.memory_space<hbm>> -> memref<3x512xf32, #tpu.memory_space<hbm>>
      tpu.enqueue_dma source(%arg7 : memref<3x512xf32, #tpu.memory_space<vmem>>) target(%dma_start3A_51 : memref<3x512xf32, #tpu.memory_space<hbm>>) target_semaphore(%run_scoped3A : memref<!tpu.dma_semaphore, #tpu.memory_space<semaphore_mem>>)
      %dma_wait3A_52 = arith.constant 0 : i32
      %dma_wait3A_53 = tpu.memref_slice %arg4[%dma_wait3A_52, %mul3A_2] : memref<3x16384xf32, #tpu.memory_space<hbm>> -> memref<3x512xf32, #tpu.memory_space<hbm>>
      %dma_wait3A_54 = arith.constant 0 : i32
      %dma_wait3A_55 = tpu.memref_slice %arg4[%dma_wait3A_54, %mul3A_2] : memref<3x16384xf32, #tpu.memory_space<hbm>> -> memref<3x512xf32, #tpu.memory_space<hbm>>
      tpu.wait_dma2 semaphore(%run_scoped3A : memref<!tpu.dma_semaphore, #tpu.memory_space<semaphore_mem>>) src(%arg7 : memref<3x512xf32, #tpu.memory_space<vmem>>) dst(%dma_wait3A_55 : memref<3x512xf32, #tpu.memory_space<hbm>>)
      tpu.yield
    }) : () -> ()
    return
  }
}

</mosaic_0001>

<sc_bundles>
// kernel: kernel.3.cloned.1.call-start
scs
__scs_entry_jumppad:
0x0: {  	(pc) =	sbr.rel $0x88, $3  }
0x1: {  	(tag) =	ssettag $0x0;
	lr =	simm.s32 $0x1  }
0x2: {  	[smem:$0x3F9F] =	sst lr;
	_ =	strace $0xD0000000  }
0x3: {  	_ = 	snop  }
0x4: {  	_ = 	snop  }
0x5: {  	_ = 	snop  }
0x6: {  	_ = 	snop  }
0x7: {  	_ = 	snop  }
__scs_overlays_trampoline_lowered:
0x8: {  	[smem:$0x3FAE] =	sst s0  }
0x9: {  	[smem:$0x3FAF] =	sst s1  }
0xa: {  	[smem:$0x3FB0] =	sst s2  }
0xb: {  	[smem:$0x3FB1] =	sst s3  }
0xc: {  	[smem:$0x3FB2] =	sst s4  }
0xd: {  	[smem:$0x3FB3] =	sst s5  }
0xe: {  	[smem:$0x3FB4] =	sst s6  }
0xf: {  	[smem:$0x3FB5] =	sst s7  }
0x10: {  	[smem:$0x3FB6] =	sst s8  }
0x11: {  	[smem:$0x3FB7] =	sst s9;
	s0 =	simm.s32 @!p0 $0x0  }
0x12: {  	s1 =	sld [smem:$0x3F9D];
	s0 =	simm.s32 @p0 $0x1  }
0x13: {  	[smem:$0x3FB8] =	sst s0;
	s0 =	simm.s32 @!p1 $0x0  }
0x14: {  	s2 =	sld [smem:$0x3F9C];
	s0 =	simm.s32 @p1 $0x1  }
0x15: {  	[smem:$0x3FB9] =	sst s0;
	s0 =	simm.s32 @!p2 $0x0  }
0x16: {  	s3 =	sld [smem:$0x3FDB];
	s0 =	simm.s32 @p2 $0x1  }
0x17: {  	s4 =	simm.s32 $0x1BF5;
	[smem:$0x3FBB] =	sst s0  }
0x18: {  	s0 =	sld [smem:$0x3F9E];
	_ =	swait.ge [sflag:s4], $0x0  }
0x19: {  	s7 =	sld [smem:$0x3F9F]  }
0x1a: {  	s8 =	sadd.s32 $0xFFFFE003, lr  }
0x1b: {  	s9 =	sadd.s32 $0xFFFFFEF7, lr;
	s5 =	simm.s32 $0xFFFFFFFF;
	p2 =	slt.u32 s8, $0xFFFFF086  }
0x1c: {  	p1 =	slt.u32 s9, $0xF7A;
	s5 =	simm.s32 @!p2 $0x0  }
0x1d: {  	s5 =	simm.s32 @p1 $0x1;
	p0 =	seq.s32 s7, s2  }
0x1e: {  	s7 =	smul.u32 @!p0 $0xF7A, s2;
	p2 =	seq.s32 @!p0 s5, $0x0  }
0x1f: {  	s9 =	smul.u32 $0xF7A, s1;
	s8 =	simm.s32 @!p0 $0x1BF5;
	p2 =	por !p2, p0  }
0x20: {  	[sflag:s8] =	ssyncset.s32 @!p0 $0xFFFFF086;
	s6 =	sadd.s32 @!p0 s3, s7;
	s7 =	simm.s32 @!p0 $0x108  }
0x21: {  	s3 =	sadd.s32 s3, s9;
	s6 =	sadd.s32 @!p0 $0x88, s6;
	s7 =	simm.s32 @p2 $0x1082  }
0x22: {  	[simem:s7], [sflag:s8] =	dma.local @!p0 [hbm:s6], $0xF7A  }
0x23: {  	s9 =	sor.u32 $0xD0000000, s2;
	s6 =	simm.s32 $0x108;
	_ =	swait.ge @!p0 [sflag:s8], $0x0  }
0x24: {  	s3 =	sadd.s32 $0x88, s3;
	s6 =	simm.s32 @!p1 $0x1082;
	[sflag:s4] =	ssyncset.s32 $0xFFFFF086  }
0x25: {  	[simem:s6], [sflag:s4] =	dma.local [hbm:s3], $0xF7A  }
0x26: {  	[smem:$0x3F9F] =	sst s1;
	(tag) =	ssettag s2;
	_ =	strace s9  }
0x27: {  	s1 =	sld [smem:$0x3FAF]  }
0x28: {  	s2 =	sld [smem:$0x3FB0]  }
0x29: {  	s4 =	sld [smem:$0x3FB2]  }
0x2a: {  	p0 =	seq.s32 s5, $0x0;
	s5 =	sld [smem:$0x3FB3]  }
0x2b: {  	s6 =	sld [smem:$0x3FB4]  }
0x2c: {  	s7 =	sld [smem:$0x3FB5]  }
0x2d: {  	s3 =	simm.s32 $0x108;
	s8 =	sld [smem:$0x3FB6]  }
0x2e: {  	s3 =	simm.s32 @!p0 $0x1082;
	s9 =	sld [smem:$0x3FB7]  }
0x2f: {  	lr =	sadd.s32 s0, s3;
	s0 =	sld [smem:$0x3FAE]  }
0x30: {  	s3 =	sld [smem:$0x3FB1]  }
0x31: {  	[smem:$0x3FBA] =	sst s10  }
0x32: {  	s10 =	sld [smem:$0x3FB8];
	_ =	sdelay $0x3  }
0x33: {  	p0 =	seq.s32 s10, $0x1;
	s10 =	sld [smem:$0x3FBA];
	_ =	sdelay $0x3  }
0x34: {  	[smem:$0x3FBA] =	sst s10  }
0x35: {  	s10 =	sld [smem:$0x3FB9];
	_ =	sdelay $0x3  }
0x36: {  	p1 =	seq.s32 s10, $0x1;
	s10 =	sld [smem:$0x3FBA];
	_ =	sdelay $0x3  }
0x37: {  	[smem:$0x3FBA] =	sst s10  }
0x38: {  	s10 =	sld [smem:$0x3FBB]  }
0x39: {  	_ = 	snop;
	(pc) =	sbr.ind lr, $3  }
0x3a: {  	_ = 	snop  }
0x3b: {  	_ = 	snop  }
0x3c: {  	p2 =	seq.s32 s10, $0x1;
	s10 =	sld [smem:$0x3FBA]  }
0x3d: {  	_ =	shalt  }
0x3e: {  	_ =	shalt  }
0x3f: {  	_ =	shalt  }
0x40: {  	_ =	shalt  }
0x41: {  	_ =	shalt  }
0x42: {  	_ =	shalt  }
0x43: {  	_ =	shalt  }
0x44: {  	_ =	shalt  }
0x45: {  	_ =	shalt  }
0x46: {  	_ =	shalt  }
0x47: {  	_ =	shalt  }
0x48: {  	_ =	shalt  }
0x49: {  	_ =	shalt  }
0x4a: {  	_ =	shalt  }
0x4b: {  	_ =	shalt  }
0x4c: {  	_ =	shalt  }
0x4d: {  	_ =	shalt  }
0x4e: {  	_ =	shalt  }
0x4f: {  	_ =	shalt  }
0x50: {  	_ =	shalt  }
0x51: {  	_ =	shalt  }
0x52: {  	_ =	shalt  }
0x53: {  	_ =	shalt  }
0x54: {  	_ =	shalt  }
0x55: {  	_ =	shalt  }
0x56: {  	_ =	shalt  }
0x57: {  	_ =	shalt  }
0x58: {  	_ =	shalt  }
0x59: {  	_ =	shalt  }
0x5a: {  	_ =	shalt  }
0x5b: {  	_ =	shalt  }
0x5c: {  	_ =	shalt  }
0x5d: {  	_ =	shalt  }
0x5e: {  	_ =	shalt  }
0x5f: {  	_ =	shalt  }
0x60: {  	_ =	shalt  }
0x61: {  	_ =	shalt  }
0x62: {  	_ =	shalt  }
0x63: {  	_ =	shalt  }
0x64: {  	_ =	shalt  }
0x65: {  	_ =	shalt  }
0x66: {  	_ =	shalt  }
0x67: {  	_ =	shalt  }
0x68: {  	_ =	shalt  }
0x69: {  	_ =	shalt  }
0x6a: {  	_ =	shalt  }
0x6b: {  	_ =	shalt  }
0x6c: {  	_ =	shalt  }
0x6d: {  	_ =	shalt  }
0x6e: {  	_ =	shalt  }
0x6f: {  	_ =	shalt  }
0x70: {  	_ =	shalt  }
0x71: {  	_ =	shalt  }
0x72: {  	_ =	shalt  }
0x73: {  	_ =	shalt  }
0x74: {  	_ =	shalt  }
0x75: {  	_ =	shalt  }
0x76: {  	_ =	shalt  }
0x77: {  	_ =	shalt  }
0x78: {  	_ =	shalt  }
0x79: {  	_ =	shalt  }
0x7a: {  	_ =	shalt  }
0x7b: {  	_ =	shalt  }
0x7c: {  	_ =	shalt  }
0x7d: {  	_ =	shalt  }
0x7e: {  	_ =	shalt  }
0x7f: {  	_ =	shalt  }
0x80: {  	_ =	shalt  }
0x81: {  	_ =	shalt  }
0x82: {  	_ =	shalt  }
0x83: {  	_ =	shalt  }
0x84: {  	_ =	shalt  }
0x85: {  	_ =	shalt  }
0x86: {  	_ =	shalt  }
0x87: {  	_ =	shalt  }
.Lfunc_end0:
.L_simem_size_0:
called_computation_lowered:
.L_overlay_start_0:
0x88: {  	s2 =	sld [smem:$0x3FD9]  }
0x89: {  	s3 =	sld [smem:$0x3FFE];
	_ =	sdelay $0x1  }
0x8a: {  	s1 =	srdreg.scid  }
0x8b: {  	s0 =	sand.u32 $0x1, s1  }
0x8c: {  	s18 =	sshll.u32 s0, $0xA;
	s2 =	sadd.s32 s3, s2  }
0x8d: {  	s2 =	sadd.s32 s2, s18  }
0x8e: {  	[smem:$0x3FC6] =	sst s2  }
0x8f: {  	_ = 	snop  }
0x90: {  	s2 =	sld [smem:$0x3FC9]  }
0x91: {  	s19 =	sld [smem:$0x3FC8]  }
0x92: {  	s4 =	sld [smem:$0x3FD0];
	(tm) =	ssettm $0x1  }
0x93: {  	s5 =	sld [smem:$0x3FFB];
	_ =	sdelay $0x3  }
0x94: {  	_ =	strace s5  }
0x95: {  	s5 =	sld [smem:$0x3FFC];
	_ =	sdelay $0x3  }
0x96: {  	_ =	strace s5  }
0x97: {  	s5 =	sld [smem:$0x3FFD];
	_ =	sdelay $0x3  }
0x98: {  	_ =	strace s5  }
0x99: {  	_ =	strace $0x8FFFFFFF  }
0x9a: {  	s20 =	sld [smem:$0x3FDB];
	_ =	sdelay $0x1  }
0x9b: {  	s6 =	simm.s32 $_scs_section_size  }
0x9c: {  	s7 =	simm.s32 $_size__tile_overlayer_lowered;
	s8 =	simm.s32 $_tile_overlayer_lowered  }
0x9d: {  	s23 =	simm.s32 $0x1BFF;
	s22 =	sshll.u32 s8, $0x1;
	s5 =	sadd.s32 s6, s20  }
0x9e: {  	s9 =	simm.s32 $0x0;
	s21 =	sshll.u32 s7, $0x1;
	s7 =	sadd.s32 s22, s5  }
0x9f: {  	[timem:s9], [sflag:s23] =	dma.local [hbm:s7], s21  }
0xa0: {  	_ =	swait.ge [sflag:s23], s21  }
0xa1: {  	s6 =	ssub.s32 $0x0, s21;
	[sflag:s23] =	ssyncset.done $0x0  }
0xa2: {  	[sflag:s23] =	ssyncadd.s32 s6;
	_ =	sdelay $0x1  }
0xa3: {  	s24 =	simm.s32 $0x1B8B  }
0xa4: {  	_ =	swait.ge [sflag:s24], $0x1  }
0xa5: {  	[sflag:s24] =	ssyncset.done $0x0  }
0xa6: {  	s25 =	simm.s32 $0x1B8E;
	[sflag:s24] =	ssyncadd.s32 $0xFFFFFFFF  }
0xa7: {  	s26 =	simm.s32 $execute0_lowered;
	[smem:$0x3FD2] =	sst s25  }
0xa8: {  	s6 =	sshll.u32 s26, $0x1;
	_ =	strace $0x80000046;
	[dreg:$0x1] =	wrdreg $0xFFFFFFFF  }
0xa9: {  	s28 =	simm.s32 $_size_execute0_lowered;
	s5 =	sadd.s32 s5, s6;
	[dreg:$0x0] =	wrdreg $0x0  }
0xaa: {  	s6 =	sshll.u32 s28, $0x1;
	[dreg:$0x2] =	wrdreg s5  }
0xab: {  	[dreg:$0x3] =	wrdreg s6  }
0xac: {  	[dreg:$0x4] =	wrdreg $0xC0  }
0xad: {  	_ =	task [dreg:s9], $0x5FFFF  }
0xae: {  	[dreg:$0x1] =	wrdreg $0xFFFFFFFF  }
0xaf: {  	[dreg:$0x0] =	wrdreg $0x60  }
0xb0: {  	[dreg:$0x2] =	wrdreg s2  }
0xb1: {  	[dreg:$0x3] =	wrdreg s19  }
0xb2: {  	[dreg:$0x4] =	wrdreg s4  }
0xb3: {  	[dreg:$0x5] =	wrdreg $0x9  }
0xb4: {  	_ =	task.clear_ibuf [dreg:s9], $0x6FFFF;
	_ =	strace $0x90000046  }
0xb5: {  	s29 =	simm.s32 $0x9;
	_ =	strace $0x80000048  }
0xb6: {  	_ =	swait.ge [sflag:s29], $0x1  }
0xb7: {  	[sflag:s29] =	ssyncadd.s32 $0xFFFFFFFF  }
0xb8: {  	_ =	strace $0x90000048  }
0xb9: {  	_ =	sfence  }
0xba: {  	s30 =	sld [smem:$0x0];
	_ =	sdelay $0x2  }
0xbb: {  	s31 =	sshll.u32 s1, $0xD;
	s1 =	sshrl.u32 s1, $0x2  }
0xbc: {  	s3 =	sand.u32 $0x4000, s31;
	s1 =	sadd.s32 s1, s30  }
0xbd: {  	s0 =	sor.u32 s3, s0;
	s1 =	sshll.u32 s1, $0x11  }
0xbe: {  	s0 =	sor.u32 s1, s0  }
0xbf: {  	s0 =	sadd.s32 $0x8F2B, s0  }
0xc0: {  	[sflag:s0] =	ssyncadd.remote.s32 $0x1  }
0xc1: {  	_ =	sfence.sel $0xFFFF  }
0xc2: {  	[dreg:$0x0] =	wrdreg $0xFFFFFFFF;
	(pc) =	sbr.abs _section_cstart, $3  }
0xc3: {  	[dreg:$0x1] =	wrdreg $0xFFFFFFFF  }
0xc4: {  	_ =	task.clear_ibuf [dreg:s9], $0x2FFFF;
	_ =	strace $0x9FFFFFFF  }
0xc5: {  	(tm) =	ssettm $0x7FFFFFFF  }
tec
execute0_lowered:
.L_overlay_start_1:
0x0: {  	(tag) =	ssettag $0x1  }
0x1: {  	s0 =	rddreg [dreg:$0x0]  }
0x2: {  	s1 =	rddreg [dreg:$0x2];
	s2 =	srdreg.scid  }
0x3: {  	s7 =	simm.s32 $0x0;
	s3 =	stileid.u32;
	s2 =	sand.u32 $0x1, s2  }
0x4: {  	s5 =	sshll.u32 s3, $0xA;
	s4 =	ssub.s32 $0x2, s2;
	s2 =	sshll.u32 s2, $0x9  }
0x5: {  	[smem:$0x7FF] =	sst s7;
	s2 =	sor.u32 s2, s5  }
0x6: {  	_ =	strace $0x80000047;
	s6 =	sshrl.u32 s4, $0x1;
	s23 =	sadd.s32 s0, s2  }
0x7: {  	s24 =	sshrl.u32 s2, $0x1;
	s25 =	sadd.s32 $0x100, s23;
	[dreg:$0x4] =	wrdreg s23  }
0x8: {  	s4 =	ssub.s32 s4, s6;
	s0 =	sadd.s32 s1, s24;
	[dreg:$0x5] =	wrdreg s25  }
0x9: {  	s26 =	smax.u32 s4, $0x1;
	[dreg:$0x6] =	wrdreg s0  }
0xa: {  	s28 =	sadd.s32 $0x4000, s23;
	[dreg:$0x7] =	wrdreg s26  }
0xb: {  	s29 =	sadd.s32 $0x8000, s23;
	[dreg:$0x8] =	wrdreg s28  }
0xc: {  	s30 =	sadd.s32 $0x4100, s23;
	[dreg:$0x9] =	wrdreg s29  }
0xd: {  	s17 =	simm.s32 $0x3000;
	s31 =	sadd.s32 $0x8100, s23;
	[dreg:$0xa] =	wrdreg s30  }
0xe: {  	s2 =	simm.s32 $0x3;
	s1 =	simm.s32 $0x0;
	[dreg:$0xb] =	wrdreg s31  }
.LBB2_1:
0xf: {  	[dreg:$0xc] =	wrdreg s1  }
0x10: {  	s0 =	rddreg [dreg:$0x4]  }
0x11: {  	[tilespmem:s7], [sflag:$0x1] =	stream.linear.gather [hbm4b:s0+s7], $0x800, $0x38;
	[tilespmem:$0x3880] =	vst v63  }
0x12: {  	s12 =	rddreg [dreg:$0x8];
	s13 =	simm.s32 $0x1000  }
0x13: {  	[tilespmem:s13], [sflag:$0x1] =	stream.linear.gather [hbm4b:s12+s7], $0x800, $0x38;
	[tilespmem:$0x3880] =	vst v63  }
0x14: {  	s14 =	rddreg [dreg:$0x9];
	s15 =	simm.s32 $0x2000  }
0x15: {  	[tilespmem:s15], [sflag:$0x1] =	stream.linear.gather [hbm4b:s14+s7], $0x800, $0x38;
	[tilespmem:$0x3880] =	vst v63  }
0x16: {  	s16 =	rddreg [dreg:$0x5];
	s18 =	simm.s32 $0x800  }
0x17: {  	[tilespmem:s18], [sflag:$0x2] =	stream.linear.gather [hbm4b:s16+s7], $0x800, $0x38;
	[tilespmem:$0x3880] =	vst v63  }
0x18: {  	s19 =	rddreg [dreg:$0xa];
	s20 =	simm.s32 $0x1800  }
0x19: {  	[tilespmem:s20], [sflag:$0x2] =	stream.linear.gather [hbm4b:s19+s7], $0x800, $0x38;
	[tilespmem:$0x3880] =	vst v63  }
0x1a: {  	s21 =	rddreg [dreg:$0xb];
	s22 =	simm.s32 $0x2800  }
0x1b: {  	[tilespmem:s22], [sflag:$0x2] =	stream.linear.gather [hbm4b:s21+s7], $0x800, $0x38;
	[tilespmem:$0x3880] =	vst v63  }
0x1c: {  	s23 =	rddreg [dreg:$0x1]  }
0x1d: {  	[tilespmem:s17], [sflag:$0x3] =	stream.linear.gather [hbm4b:s23+s7], $0x80, $0x38;
	[tilespmem:$0x3880] =	vst v63  }
0x1e: {  	_ =	swait.ge [sflag:s2], $0x80  }
0x1f: {  	[sflag:s2] =	ssyncset.done $0x0  }
0x20: {  	s24 =	simm.s32 $0x0;
	s3 =	simm.s32 $0x1;
	[sflag:s2] =	ssyncadd.s32 $0xFFFFFF80  }
0x21: {  	s1 =	sand.u32 $0x60, s7;
	s2 =	sand.u32 $0x3FFFFC00, s24;
	_ =	swait.ge [sflag:s3], $0x1800  }
0x22: {  	s0 =	sor.u32 $0x10, s1;
	s4 =	sadd.s32 $0x1380, s2;
	[sflag:s3] =	ssyncset.done $0x0  }
0x23: {  	s5 =	sor.u32 s0, s4;
	[sflag:s3] =	ssyncadd.s32 $0xFFFFE800  }
0x24: {  	s6 =	sadd.s32 $0x1080, s2;
	s4 =	sor.u32 s1, s4;
	v1 =	vld [tilespmem:s5+$0x0]  }
0x25: {  	s25 =	sadd.s32 $0x2000, s2;
	s7 =	sor.u32 s1, s6;
	v0 =	vld [tilespmem:s4+$0x0]  }
0x26: {  	s8 =	sadd.s32 $0x2080, s2;
	s26 =	sor.u32 s1, s25;
	v9 =	vld [tilespmem:s7+$0x0]  }
0x27: {  	s9 =	sadd.s32 $0x1000, s2;
	s29 =	sor.u32 s1, s8;
	v2 =	vld [tilespmem:s26+$0x0]  }
0x28: {  	s30 =	sadd.s32 $0x2100, s2;
	s31 =	sor.u32 s1, s9;
	v3 =	vld [tilespmem:s29+$0x0]  }
0x29: {  	s3 =	sor.u32 s0, s30;
	v10 =	vld [tilespmem:s31+$0x0]  }
0x2a: {  	s10 =	sor.u32 s0, s8;
	v4 =	vld [tilespmem:s3+$0x0]  }
0x2b: {  	s11 =	sor.u32 s1, s2;
	v5 =	vld [tilespmem:s10+$0x0]  }
0x2c: {  	v8 =	vld [tilespmem:s11+$0x300]  }
0x2d: {  	v11 =	vld [tilespmem:s11+$0x380]  }
0x2e: {  	v7 =	vld [tilespmem:s11+$0x100]  }
0x2f: {  	v12 =	vld [tilespmem:s11+$0x200]  }
0x30: {  	v13 =	vld [tilespmem:s11+$0x280]  }
0x31: {  	v14 =	vld [tilespmem:s11+$0x0]  }
0x32: {  	v15 =	vld [tilespmem:s11+$0x80]  }
0x33: {  	s12 =	sor.u32 s0, s2;
	v16 =	vld [tilespmem:s11+$0x180]  }
0x34: {  	v17 =	vld [tilespmem:s12+$0x180]  }
0x35: {  	v19 =	vld [tilespmem:s12+$0x100]  }
0x36: {  	v20 =	vld [tilespmem:s12+$0x80]  }
0x37: {  	v21 =	vld [tilespmem:s12+$0x0]  }
0x38: {  	v18 =	vld [tilespmem:s12+$0x200]  }
0x39: {  	v22 =	vld [tilespmem:s12+$0x280]  }
0x3a: {  	v23 =	vld [tilespmem:s12+$0x300];
	v14 =	vtrunc.f32 v14;
	v15 =	vtrunc.f32 v15  }
0x3b: {  	s13 =	sadd.s32 $0x1180, s2;
	s6 =	sor.u32 s0, s6;
	v24 =	vld [tilespmem:s12+$0x380];
	v19 =	vtrunc.f32 v19;
	v20 =	vtrunc.f32 v20  }
0x3c: {  	s14 =	sor.u32 s1, s13;
	v25 =	vld [tilespmem:s6+$0x0];
	v29 =	vtrunc.f32 v7;
	v21 =	vtrunc.f32 v21  }
0x3d: {  	s15 =	sadd.s32 $0x1200, s2;
	s16 =	sor.u32 s0, s9;
	v26 =	vld [tilespmem:s14+$0x0];
	v16 =	vtrunc.f32 v16;
	v8 =	vtrunc.f32 v8  }
0x3e: {  	s22 =	sadd.s32 $0x1300, s2;
	s18 =	sor.u32 s1, s15;
	v27 =	vld [tilespmem:s16+$0x0];
	v14 =	vcvt.f32.s32 v14;
	v15 =	vcvt.f32.s32 v15  }
0x3f: {  	s23 =	sor.u32 s0, s22;
	v28 =	vld [tilespmem:s18+$0x0];
	v19 =	vcvt.f32.s32 v19;
	v20 =	vcvt.f32.s32 v20  }
0x40: {  	s5 =	sor.u32 s0, s25;
	v32 =	vld [tilespmem:s23+$0x0];
	v29 =	vcvt.f32.s32 v29;
	v21 =	vcvt.f32.s32 v21  }
0x41: {  	s19 =	sadd.s32 $0x2180, s2;
	s4 =	sor.u32 s1, s30;
	v6 =	vld [tilespmem:s5+$0x0];
	v30 =	vcvt.f32.s32 v8;
	v8 =	vtrunc.f32 v11  }
0x42: {  	s21 =	sor.u32 s1, s19;
	v11 =	vtrunc.f32 v22;
	v22 =	vcvt.f32.s32 v8;
	v8 =	vld [tilespmem:s4+$0x0]  }
0x43: {  	v31 =	vcvt.f32.s32 v11;
	v11 =	vtrunc.f32 v9;
	v9 =	vld [tilespmem:s21+$0x0]  }
0x44: {  	v17 =	vtrunc.f32 v17;
	v16 =	vcvt.f32.s32 v16;
	v14 =	vld.idx.msk [tilespmem:v14+s17+$0x0], $0xffff  }
0x45: {  	v12 =	vtrunc.f32 v12;
	v17 =	vcvt.f32.s32 v17;
	v15 =	vld.idx.msk [tilespmem:v15+s17+$0x0], $0xffff  }
0x46: {  	v12 =	vcvt.f32.s32 v12;
	v19 =	vld.idx.msk [tilespmem:v19+s17+$0x0], $0xffff  }
0x47: {  	v20 =	vld.idx.msk [tilespmem:v20+s17+$0x0], $0xffff  }
0x48: {  	v18 =	vtrunc.f32 v18;
	v29 =	vld.idx.msk [tilespmem:v29+s17+$0x0], $0xffff  }
0x49: {  	v18 =	vcvt.f32.s32 v18;
	v21 =	vld.idx.msk [tilespmem:v21+s17+$0x0], $0xffff  }
0x4a: {  	v16 =	vld.idx.msk [tilespmem:v16+s17+$0x0], $0xffff  }
0x4b: {  	v17 =	vld.idx.msk [tilespmem:v17+s17+$0x0], $0xffff;
	v15 =	vmul.f32 v15, v2;
	v14 =	vmul.f32 v14, v0  }
0x4c: {  	s5 =	sor.u32 s0, s13;
	v13 =	vtrunc.f32 v13;
	v10 =	vtrunc.f32 v10;
	v12 =	vld.idx.msk [tilespmem:v12+s17+$0x0], $0xffff  }
0x4d: {  	s20 =	sor.u32 s0, s19;
	v34 =	vld [tilespmem:s5+$0x0];
	v13 =	vcvt.f32.s32 v13;
	v14 =	vadd.f32 v15, v14;
	v15 =	vmul.f32 v29, v3  }
0x4e: {  	s25 =	sadd.s32 $0x1100, s2;
	s2 =	sadd.s32 $0x1280, s2;
	v7 =	vld [tilespmem:s20+$0x0];
	v20 =	vmul.f32 v20, v6;
	v21 =	vmul.f32 v21, v1  }
0x4f: {  	s31 =	sor.u32 s1, s2;
	v11 =	vcvt.f32.s32 v11;
	v18 =	vld.idx.msk [tilespmem:v18+s17+$0x0], $0xffff;
	v33 =	vmul.f32 v16, v8;
	v14 =	vadd.f32 v15, v14  }
0x50: {  	s2 =	sor.u32 s0, s2;
	v36 =	vld [tilespmem:s31+$0x0];
	v19 =	vmul.f32 v19, v5;
	v16 =	vcvt.f32.s32 v10;
	v10 =	vadd.f32 v20, v21  }
0x51: {  	s24 =	sor.u32 s0, s15;
	s29 =	simm.s32 $0x0;
	v37 =	vld [tilespmem:s2+$0x0];
	v17 =	vmul.f32 v17, v4;
	v12 =	vmul.f32 v12, v9;
	v14 =	vadd.f32 v33, v14  }
0x52: {  	s30 =	sor.u32 s1, s22;
	s5 =	sand.u32 $0x3FFFFE00, s29;
	v29 =	vld [tilespmem:s24+$0x0];
	v21 =	vtrunc.f32 v23;
	v23 =	vtrunc.f32 v24;
	v10 =	vadd.f32 v19, v10  }
0x53: {  	s26 =	sor.u32 s0, s25;
	s5 =	sadd.s32 $0x3080, s5;
	v20 =	vld [tilespmem:s30+$0x0];
	v63 =	vcvt.f32.s32 v21;
	v35 =	vcvt.f32.s32 v23;
	v12 =	vadd.f32 v12, v14  }
0x54: {  	s4 =	sor.u32 s1, s25;
	s25 =	sor.u32 s1, s5;
	v15 =	vld [tilespmem:s26+$0x0];
	v10 =	vadd.f32 v17, v10;
	v17 =	vmul.f32 v18, v7;
	v18 =	vtrunc.f32 v26  }
0x55: {  	v19 =	vld [tilespmem:s4+$0x0];
	v14 =	vtrunc.f32 v25;
	[tilespmem:s25+$0x0] =	vst v12;
	v12 =	vtrunc.f32 v27  }
0x56: {  	v21 =	vcvt.f32.s32 v14;
	v25 =	vld.idx.msk [tilespmem:v13+s17+$0x0], $0xffff;
	v13 =	vadd.f32 v17, v10;
	v23 =	vcvt.f32.s32 v12  }
0x57: {  	s28 =	sor.u32 s0, s5;
	v14 =	vtrunc.f32 v28;
	v10 =	vcvt.f32.s32 v18;
	v26 =	vld.idx.msk [tilespmem:v30+s17+$0x0], $0xffff  }
0x58: {  	v12 =	vtrunc.f32 v32;
	v17 =	vtrunc.f32 v29;
	v24 =	vld.idx.msk [tilespmem:v22+s17+$0x0], $0xffff;
	[tilespmem:s28+$0x0] =	vst v13  }
0x59: {  	v22 =	vtrunc.f32 v34;
	v18 =	vtrunc.f32 v36;
	v29 =	vld.idx.msk [tilespmem:v31+s17+$0x0], $0xffff  }
0x5a: {  	v13 =	vcvt.f32.s32 v14;
	v14 =	vtrunc.f32 v20;
	v28 =	vld.idx.msk [tilespmem:v63+s17+$0x0], $0xffff  }
0x5b: {  	s23 =	simm.s32 $0x0;
	s24 =	simm.s32 $0x0;
	v20 =	vtrunc.f32 v19;
	v19 =	vtrunc.f32 v37;
	v27 =	vld.idx.msk [tilespmem:v35+s17+$0x0], $0xffff  }
.LBB2_2:
0x5c: {  	s23 =	sadd.s32 $0x2, s23;
	v23 =	vld.idx.msk [tilespmem:v23+s17+$0x0], $0xffff;
	s24 =	sadd.s32 $0x20, s24  }
0x5d: {  	v25 =	vmul.f32 v25, v0;
	v26 =	vmul.f32 v26, v2;
	s0 =	sshll.u32 s23, $0x7;
	s1 =	sshll.u32 s23, $0x6;
	p0 =	slt.u32 s23, $0xE;
	v21 =	vld.idx.msk [tilespmem:v21+s17+$0x0], $0xffff  }
0x5e: {  	s26 =	sand.u32 $0x60, s24;
	s30 =	sand.u32 $0x3FFFFC00, s0;
	s0 =	sand.u32 $0x3FFFFE00, s1;
	v30 =	vld.idx.msk [tilespmem:v16+s17+$0x0], $0xffff  }
0x5f: {  	v24 =	vmul.f32 v24, v3;
	v16 =	vadd.f32 v26, v25;
	v26 =	vmul.f32 v29, v1;
	s5 =	sor.u32 s26, s30;
	s2 =	sadd.s32 $0x1100, s30;
	s1 =	sadd.s32 $0x2080, s30;
	v25 =	vld.idx.msk [tilespmem:v11+s17+$0x0], $0xffff  }
0x60: {  	s29 =	sor.u32 $0x10, s26;
	s4 =	sadd.s32 $0x1080, s30;
	s6 =	sadd.s32 $0x1380, s30;
	v28 =	vmul.f32 v28, v6;
	v11 =	vld [tilespmem:s5+$0x300]  }
0x61: {  	s13 =	sadd.s32 $0x1200, s30;
	s21 =	sor.u32 s29, s30;
	s7 =	sor.u32 s29, s6;
	v24 =	vadd.f32 v24, v16;
	v27 =	vmul.f32 v27, v5  }
0x62: {  	s3 =	sadd.s32 $0x1280, s30;
	s6 =	sor.u32 s26, s6;
	s11 =	sor.u32 s29, s1;
	v26 =	vadd.f32 v28, v26;
	v23 =	vmul.f32 v23, v4;
	v16 =	vld [tilespmem:s5+$0x380]  }
0x63: {  	s16 =	sor.u32 s26, s13;
	s20 =	sor.u32 s26, s1;
	s1 =	sadd.s32 $0x2100, s30;
	v29 =	vmul.f32 v21, v7;
	v28 =	vld [tilespmem:s7+$0x0]  }
0x64: {  	s31 =	sor.u32 s26, s3;
	s19 =	sor.u32 s29, s1;
	s7 =	sadd.s32 $0x2000, s30;
	v30 =	vmul.f32 v30, v8;
	v26 =	vadd.f32 v27, v26;
	v21 =	vld [tilespmem:s5+$0x100]  }
0x65: {  	v15 =	vtrunc.f32 v15;
	s14 =	sor.u32 s26, s1;
	s22 =	sor.u32 s26, s7;
	s10 =	sor.u32 s29, s7;
	v25 =	vmul.f32 v25, v9;
	v27 =	vld [tilespmem:s5+$0x200]  }
0x66: {  	s8 =	sor.u32 s29, s4;
	s1 =	sadd.s32 $0x1000, s30;
	s7 =	sor.u32 s26, s4;
	v24 =	vadd.f32 v30, v24;
	v23 =	vadd.f32 v23, v26;
	v26 =	vcvt.f32.s32 v15;
	v31 =	vld [tilespmem:s6+$0x0]  }
0x67: {  	v22 =	vcvt.f32.s32 v22;
	s18 =	sor.u32 s26, s1;
	s4 =	sadd.s32 $0x1180, s30;
	v15 =	vld [tilespmem:s7+$0x0];
	s7 =	sor.u32 s29, s1  }
0x68: {  	s15 =	sor.u32 s29, s13;
	s9 =	sor.u32 s26, s4;
	s12 =	sor.u32 s29, s4;
	v23 =	vadd.f32 v29, v23;
	v30 =	vld [tilespmem:s5+$0x280]  }
0x69: {  	v17 =	vcvt.f32.s32 v17;
	s13 =	sor.u32 s29, s2;
	s1 =	sor.u32 s26, s2;
	s2 =	sor.u32 s29, s3;
	v24 =	vadd.f32 v25, v24;
	v29 =	vld [tilespmem:s21+$0x180]  }
0x6a: {  	v20 =	vcvt.f32.s32 v20;
	s0 =	sadd.s32 $0x3080, s0;
	v25 =	vld [tilespmem:s5+$0x0];
	v27 =	vtrunc.f32 v27;
	[tilespmem:s28+$0x80] =	vst v23  }
0x6b: {  	v23 =	vld [tilespmem:s5+$0x80];
	[tilespmem:s25+$0x80] =	vst v24  }
0x6c: {  	v19 =	vcvt.f32.s32 v19;
	s3 =	sadd.s32 $0x2180, s30;
	v24 =	vld.idx.msk [tilespmem:v26+s17+$0x0], $0xffff  }
0x6d: {  	s6 =	sor.u32 s26, s3;
	s4 =	sor.u32 s29, s3;
	v22 =	vld.idx.msk [tilespmem:v22+s17+$0x0], $0xffff  }
0x6e: {  	v18 =	vcvt.f32.s32 v18;
	v26 =	vld [tilespmem:s22+$0x0]  }
0x6f: {  	v14 =	vcvt.f32.s32 v14;
	v17 =	vld.idx.msk [tilespmem:v17+s17+$0x0], $0xffff  }
0x70: {  	v12 =	vcvt.f32.s32 v12;
	v20 =	vld.idx.msk [tilespmem:v20+s17+$0x0], $0xffff  }
0x71: {  	v10 =	vld.idx.msk [tilespmem:v10+s17+$0x0], $0xffff  }
0x72: {  	v24 =	vmul.f32 v24, v1;
	v1 =	vmov v28;
	v19 =	vld.idx.msk [tilespmem:v19+s17+$0x0], $0xffff  }
0x73: {  	v6 =	vmul.f32 v22, v6;
	v13 =	vld.idx.msk [tilespmem:v13+s17+$0x0], $0xffff  }
0x74: {  	v18 =	vld.idx.msk [tilespmem:v18+s17+$0x0], $0xffff  }
0x75: {  	v6 =	vadd.f32 v6, v24;
	v5 =	vmul.f32 v17, v5;
	v14 =	vld.idx.msk [tilespmem:v14+s17+$0x0], $0xffff  }
0x76: {  	v17 =	vmul.f32 v20, v0;
	v0 =	vmov v31;
	v12 =	vld.idx.msk [tilespmem:v12+s17+$0x0], $0xffff  }
0x77: {  	v10 =	vmul.f32 v10, v2;
	v5 =	vadd.f32 v5, v6;
	v2 =	vmov v26;
	v20 =	vld [tilespmem:s21+$0x200]  }
0x78: {  	v4 =	vmul.f32 v19, v4;
	v6 =	vld [tilespmem:s21+$0x100]  }
0x79: {  	v19 =	vtrunc.f32 v23;
	v10 =	vadd.f32 v10, v17;
	v13 =	vmul.f32 v13, v3;
	v22 =	vld [tilespmem:s21+$0x80]  }
0x7a: {  	v17 =	vtrunc.f32 v25;
	v8 =	vmul.f32 v18, v8;
	v18 =	vadd.f32 v4, v5;
	v23 =	vld [tilespmem:s21+$0x0]  }
0x7b: {  	v17 =	vcvt.f32.s32 v17;
	v5 =	vadd.f32 v13, v10;
	v9 =	vmul.f32 v14, v9;
	v3 =	vld [tilespmem:s20+$0x0]  }
0x7c: {  	v7 =	vmul.f32 v12, v7;
	v10 =	vld [tilespmem:s18+$0x0];
	v13 =	vtrunc.f32 v20  }
0x7d: {  	v12 =	vcvt.f32.s32 v19;
	v8 =	vadd.f32 v8, v5;
	v4 =	vld [tilespmem:s19+$0x0];
	v6 =	vtrunc.f32 v6  }
0x7e: {  	v13 =	vcvt.f32.s32 v13;
	v7 =	vadd.f32 v7, v18;
	v5 =	vld [tilespmem:s11+$0x0];
	v6 =	vcvt.f32.s32 v6  }
0x7f: {  	v19 =	vtrunc.f32 v29;
	v8 =	vadd.f32 v9, v8;
	v14 =	vld [tilespmem:s21+$0x280];
	v18 =	vtrunc.f32 v23  }
0x80: {  	v19 =	vcvt.f32.s32 v19;
	v20 =	vtrunc.f32 v22;
	v9 =	vld [tilespmem:s5+$0x180];
	[tilespmem:s28+$0x100] =	vst v7  }
0x81: {  	v20 =	vcvt.f32.s32 v20;
	v7 =	vtrunc.f32 v21;
	v17 =	vld.idx.msk [tilespmem:v17+s17+$0x0], $0xffff;
	[tilespmem:s25+$0x100] =	vst v8  }
0x82: {  	v8 =	vtrunc.f32 v30  }
0x83: {  	v24 =	vcvt.f32.s32 v8;
	v8 =	vtrunc.f32 v11;
	v12 =	vld.idx.msk [tilespmem:v12+s17+$0x0], $0xffff  }
0x84: {  	v26 =	vcvt.f32.s32 v8;
	v8 =	vld.idx.msk [tilespmem:v6+s17+$0x0], $0xffff  }
0x85: {  	v11 =	vtrunc.f32 v16;
	v6 =	vld [tilespmem:s10+$0x0]  }
0x86: {  	v22 =	vcvt.f32.s32 v27;
	v14 =	vtrunc.f32 v14;
	v19 =	vld.idx.msk [tilespmem:v19+s17+$0x0], $0xffff  }
0x87: {  	v27 =	vcvt.f32.s32 v11;
	v9 =	vtrunc.f32 v9;
	v20 =	vld.idx.msk [tilespmem:v20+s17+$0x0], $0xffff  }
0x88: {  	v21 =	vcvt.f32.s32 v7;
	v28 =	vcvt.f32.s32 v14;
	v7 =	vld [tilespmem:s21+$0x300]  }
0x89: {  	v11 =	vtrunc.f32 v15;
	v15 =	vcvt.f32.s32 v18;
	v14 =	vld [tilespmem:s21+$0x380]  }
0x8a: {  	v11 =	vcvt.f32.s32 v11;
	v25 =	vmul.f32 v8, v5;
	v18 =	vld [tilespmem:s8+$0x0]  }
0x8b: {  	v10 =	vtrunc.f32 v10;
	v9 =	vcvt.f32.s32 v9;
	v8 =	vld [tilespmem:s9+$0x0]  }
0x8c: {  	v16 =	vcvt.f32.s32 v10;
	v19 =	vmul.f32 v19, v4;
	v10 =	vld [tilespmem:s7+$0x0]  }
0x8d: {  	v20 =	vmul.f32 v20, v6;
	v23 =	vld [tilespmem:s16+$0x0];
	v29 =	vtrunc.f32 v7  }
0x8e: {  	v7 =	vld [tilespmem:s4+$0x0];
	v30 =	vcvt.f32.s32 v29;
	v14 =	vtrunc.f32 v14  }
0x8f: {  	v29 =	vld.idx.msk [tilespmem:v21+s17+$0x0], $0xffff;
	v31 =	vcvt.f32.s32 v14;
	v14 =	vtrunc.f32 v18  }
0x90: {  	v18 =	vtrunc.f32 v8;
	v15 =	vld.idx.msk [tilespmem:v15+s17+$0x0], $0xffff;
	v21 =	vcvt.f32.s32 v14  }
0x91: {  	v12 =	vmul.f32 v12, v2;
	v14 =	vld.idx.msk [tilespmem:v9+s17+$0x0], $0xffff;
	v9 =	vtrunc.f32 v10  }
0x92: {  	v8 =	vld [tilespmem:s14+$0x0];
	v32 =	vtrunc.f32 v23;
	v23 =	vcvt.f32.s32 v9  }
0x93: {  	s3 =	sadd.s32 $0x1300, s30;
	v10 =	vmul.f32 v17, v0;
	v17 =	vld.idx.msk [tilespmem:v22+s17+$0x0], $0xffff  }
0x94: {  	s4 =	sor.u32 s26, s3;
	s3 =	sor.u32 s29, s3;
	v9 =	vld [tilespmem:s6+$0x0]  }
0x95: {  	v10 =	vadd.f32 v12, v10;
	v12 =	vmul.f32 v29, v3;
	v22 =	vld [tilespmem:s3+$0x0]  }
0x96: {  	v15 =	vmul.f32 v15, v1;
	v13 =	vld.idx.msk [tilespmem:v13+s17+$0x0], $0xffff  }
0x97: {  	v10 =	vadd.f32 v12, v10;
	v12 =	vmul.f32 v14, v8;
	v14 =	vld [tilespmem:s15+$0x0]  }
0x98: {  	v20 =	vadd.f32 v20, v15;
	v29 =	vld [tilespmem:s12+$0x0]  }
0x99: {  	v33 =	vadd.f32 v12, v10;
	v17 =	vmul.f32 v17, v9;
	v15 =	vld [tilespmem:s13+$0x0]  }
0x9a: {  	v10 =	vcvt.f32.s32 v18;
	v18 =	vadd.f32 v25, v20;
	v34 =	vld [tilespmem:s4+$0x0];
	v12 =	vtrunc.f32 v22  }
0x9b: {  	v20 =	vld [tilespmem:s1+$0x0];
	v22 =	vadd.f32 v17, v33  }
0x9c: {  	s25 =	sor.u32 s26, s0;
	v18 =	vadd.f32 v19, v18;
	v19 =	vmul.f32 v13, v7;
	v33 =	vld [tilespmem:s31+$0x0];
	v17 =	vtrunc.f32 v14  }
0x9d: {  	v13 =	vcvt.f32.s32 v32;
	[tilespmem:s25+$0x0] =	vst v22;
	v32 =	vld [tilespmem:s2+$0x0];
	v22 =	vtrunc.f32 v29  }
0x9e: {  	v18 =	vadd.f32 v19, v18;
	v25 =	vld.idx.msk [tilespmem:v24+s17+$0x0], $0xffff  }
.Ltmp0:
0x9f: {  	s28 =	sor.u32 s29, s0;
	v26 =	vld.idx.msk [tilespmem:v26+s17+$0x0], $0xffff;
	v14 =	vtrunc.f32 v34;
	(pc) =	sbr.rel @p0 .LBB2_2-.Ltmp0, $4  }
0xa0: {  	v24 =	vld.idx.msk [tilespmem:v27+s17+$0x0], $0xffff;
	v20 =	vtrunc.f32 v20;
	[tilespmem:s28+$0x0] =	vst v18  }
0xa1: {  	v18 =	vtrunc.f32 v33;
	v29 =	vld.idx.msk [tilespmem:v28+s17+$0x0], $0xffff  }
0xa2: {  	v28 =	vld.idx.msk [tilespmem:v30+s17+$0x0], $0xffff;
	v19 =	vtrunc.f32 v32  }
0xa3: {  	v27 =	vld.idx.msk [tilespmem:v31+s17+$0x0], $0xffff  }
0xa4: {  	_ =	sdelay $0x3  }
0xa5: {  	v16 =	vld.idx.msk [tilespmem:v16+s17+$0x0], $0xffff  }
0xa6: {  	v23 =	vld.idx.msk [tilespmem:v23+s17+$0x0], $0xffff;
	v25 =	vmul.f32 v25, v0;
	v26 =	vmul.f32 v26, v2  }
0xa7: {  	v11 =	vld.idx.msk [tilespmem:v11+s17+$0x0], $0xffff;
	v29 =	vmul.f32 v29, v1;
	v28 =	vmul.f32 v28, v6  }
0xa8: {  	v21 =	vld.idx.msk [tilespmem:v21+s17+$0x0], $0xffff;
	v24 =	vmul.f32 v24, v3;
	v25 =	vadd.f32 v26, v25  }
0xa9: {  	v27 =	vmul.f32 v27, v5;
	v28 =	vadd.f32 v28, v29  }
0xaa: {  	v15 =	vtrunc.f32 v15;
	v24 =	vadd.f32 v24, v25;
	v16 =	vmul.f32 v16, v8  }
0xab: {  	v20 =	vcvt.f32.s32 v20;
	v23 =	vmul.f32 v23, v4;
	v26 =	vadd.f32 v27, v28  }
0xac: {  	v15 =	vcvt.f32.s32 v15;
	v11 =	vmul.f32 v11, v9;
	v16 =	vadd.f32 v16, v24  }
0xad: {  	v22 =	vcvt.f32.s32 v22;
	v21 =	vmul.f32 v21, v7;
	v23 =	vadd.f32 v23, v26  }
0xae: {  	v11 =	vadd.f32 v11, v16  }
0xaf: {  	v17 =	vcvt.f32.s32 v17;
	v21 =	vadd.f32 v21, v23  }
0xb0: {  	[tilespmem:s25+$0x80] =	vst v11  }
0xb1: {  	v16 =	vcvt.f32.s32 v19;
	v19 =	vld.idx.msk [tilespmem:v20+s17+$0x0], $0xffff;
	[tilespmem:s28+$0x80] =	vst v21  }
0xb2: {  	v18 =	vcvt.f32.s32 v18;
	v15 =	vld.idx.msk [tilespmem:v15+s17+$0x0], $0xffff  }
0xb3: {  	v12 =	vcvt.f32.s32 v12;
	v11 =	vld.idx.msk [tilespmem:v22+s17+$0x0], $0xffff  }
0xb4: {  	v14 =	vcvt.f32.s32 v14;
	v10 =	vld.idx.msk [tilespmem:v10+s17+$0x0], $0xffff  }
0xb5: {  	v17 =	vld.idx.msk [tilespmem:v17+s17+$0x0], $0xffff  }
0xb6: {  	v13 =	vld.idx.msk [tilespmem:v13+s17+$0x0], $0xffff  }
0xb7: {  	v16 =	vld.idx.msk [tilespmem:v16+s17+$0x0], $0xffff  }
0xb8: {  	v1 =	vmul.f32 v15, v1;
	v6 =	vmul.f32 v11, v6;
	v11 =	vld.idx.msk [tilespmem:v18+s17+$0x0], $0xffff  }
0xb9: {  	v12 =	vld.idx.msk [tilespmem:v12+s17+$0x0], $0xffff;
	v0 =	vmul.f32 v19, v0;
	v2 =	vmul.f32 v10, v2  }
0xba: {  	v10 =	vld.idx.msk [tilespmem:v14+s17+$0x0], $0xffff;
	v5 =	vmul.f32 v17, v5;
	v1 =	vadd.f32 v6, v1  }
0xbb: {  	v0 =	vadd.f32 v2, v0;
	v2 =	vmul.f32 v13, v3  }
0xbc: {  	v3 =	vmul.f32 v16, v4;
	v1 =	vadd.f32 v5, v1  }
0xbd: {  	v0 =	vadd.f32 v2, v0;
	v4 =	vmul.f32 v11, v8  }
0xbe: {  	v2 =	vmul.f32 v12, v7;
	v1 =	vadd.f32 v3, v1  }
0xbf: {  	v3 =	vmul.f32 v10, v9;
	v0 =	vadd.f32 v4, v0  }
0xc0: {  	v1 =	vadd.f32 v2, v1  }
0xc1: {  	v0 =	vadd.f32 v3, v0  }
0xc2: {  	[tilespmem:s28+$0x100] =	vst v1  }
0xc3: {  	s23 =	simm.s32 $0x100;
	s0 =	simm.s32 $0x800;
	s4 =	simm.s32 $0x2;
	[tilespmem:s25+$0x100] =	vst v0  }
0xc4: {  	s1 =	sand.u32 $0x60, s23;
	s2 =	sand.u32 $0x3FFFFC00, s0;
	_ =	swait.ge [sflag:s4], $0x1800  }
0xc5: {  	s3 =	sadd.s32 $0x1380, s2;
	s0 =	sor.u32 $0x10, s1;
	[sflag:s4] =	ssyncset.done $0x0  }
0xc6: {  	s24 =	sor.u32 s0, s3;
	[sflag:s4] =	ssyncadd.s32 $0xFFFFE800  }
0xc7: {  	s5 =	sadd.s32 $0x1080, s2;
	s3 =	sor.u32 s1, s3;
	v1 =	vld [tilespmem:s24+$0x0]  }
0xc8: {  	s6 =	sadd.s32 $0x2000, s2;
	s25 =	sor.u32 s1, s5;
	v0 =	vld [tilespmem:s3+$0x0]  }
0xc9: {  	s26 =	sadd.s32 $0x2080, s2;
	s7 =	sor.u32 s1, s6;
	v9 =	vld [tilespmem:s25+$0x0]  }
0xca: {  	s9 =	sadd.s32 $0x1000, s2;
	s8 =	sor.u32 s1, s26;
	v2 =	vld [tilespmem:s7+$0x0]  }
0xcb: {  	s30 =	sor.u32 s1, s9;
	s28 =	sadd.s32 $0x2100, s2;
	v3 =	vld [tilespmem:s8+$0x0]  }
0xcc: {  	s31 =	sor.u32 s0, s28;
	v10 =	vld [tilespmem:s30+$0x0]  }
0xcd: {  	s6 =	sor.u32 s0, s6;
	v4 =	vld [tilespmem:s31+$0x0]  }
0xce: {  	s11 =	sadd.s32 $0x1180, s2;
	s10 =	sor.u32 s0, s5;
	v6 =	vld [tilespmem:s6+$0x0]  }
0xcf: {  	s12 =	sor.u32 s1, s11;
	v25 =	vld [tilespmem:s10+$0x0]  }
0xd0: {  	s13 =	sadd.s32 $0x1200, s2;
	s14 =	sor.u32 s0, s9;
	v26 =	vld [tilespmem:s12+$0x0]  }
0xd1: {  	s21 =	sadd.s32 $0x1300, s2;
	s15 =	sor.u32 s1, s13;
	v27 =	vld [tilespmem:s14+$0x0]  }
0xd2: {  	s22 =	sor.u32 s0, s21;
	v28 =	vld [tilespmem:s15+$0x0]  }
0xd3: {  	s7 =	sor.u32 s1, s2;
	v32 =	vld [tilespmem:s22+$0x0]  }
0xd4: {  	v8 =	vld [tilespmem:s7+$0x300]  }
0xd5: {  	v7 =	vld [tilespmem:s7+$0x100]  }
0xd6: {  	v14 =	vld [tilespmem:s7+$0x0]  }
0xd7: {  	s8 =	sor.u32 s0, s2;
	v15 =	vld [tilespmem:s7+$0x80]  }
0xd8: {  	v19 =	vld [tilespmem:s8+$0x100]  }
0xd9: {  	v20 =	vld [tilespmem:s8+$0x80]  }
0xda: {  	v21 =	vld [tilespmem:s8+$0x0]  }
0xdb: {  	s5 =	sor.u32 s0, s11;
	v16 =	vld [tilespmem:s7+$0x180]  }
0xdc: {  	s3 =	sor.u32 s0, s26;
	v34 =	vld [tilespmem:s5+$0x0]  }
0xdd: {  	v5 =	vld [tilespmem:s3+$0x0];
	v14 =	vtrunc.f32 v14;
	v15 =	vtrunc.f32 v15  }
0xde: {  	v11 =	vld [tilespmem:s7+$0x380];
	v19 =	vtrunc.f32 v19;
	v20 =	vtrunc.f32 v20  }
0xdf: {  	v12 =	vld [tilespmem:s7+$0x200];
	v29 =	vtrunc.f32 v7;
	v21 =	vtrunc.f32 v21  }
0xe0: {  	v22 =	vld [tilespmem:s8+$0x280];
	v16 =	vtrunc.f32 v16;
	v8 =	vtrunc.f32 v8  }
0xe1: {  	v13 =	vld [tilespmem:s7+$0x280];
	v14 =	vcvt.f32.s32 v14;
	v15 =	vcvt.f32.s32 v15  }
0xe2: {  	v17 =	vld [tilespmem:s8+$0x180];
	v19 =	vcvt.f32.s32 v19;
	v20 =	vcvt.f32.s32 v20  }
0xe3: {  	v18 =	vld [tilespmem:s8+$0x200];
	v29 =	vcvt.f32.s32 v29;
	v21 =	vcvt.f32.s32 v21  }
0xe4: {  	s16 =	sadd.s32 $0x2180, s2;
	s19 =	sor.u32 s1, s28;
	v23 =	vld [tilespmem:s8+$0x300];
	v30 =	vcvt.f32.s32 v8;
	v8 =	vtrunc.f32 v11  }
0xe5: {  	s20 =	sor.u32 s1, s16;
	v11 =	vtrunc.f32 v22;
	v22 =	vcvt.f32.s32 v8;
	v8 =	vld [tilespmem:s19+$0x0]  }
0xe6: {  	v31 =	vcvt.f32.s32 v11;
	v11 =	vtrunc.f32 v9;
	v9 =	vld [tilespmem:s20+$0x0]  }
0xe7: {  	v17 =	vtrunc.f32 v17;
	v16 =	vcvt.f32.s32 v16;
	v14 =	vld.idx.msk [tilespmem:v14+s17+$0x0], $0xffff  }
0xe8: {  	v12 =	vtrunc.f32 v12;
	v17 =	vcvt.f32.s32 v17;
	v15 =	vld.idx.msk [tilespmem:v15+s17+$0x0], $0xffff  }
0xe9: {  	v12 =	vcvt.f32.s32 v12;
	v19 =	vld.idx.msk [tilespmem:v19+s17+$0x0], $0xffff  }
0xea: {  	v20 =	vld.idx.msk [tilespmem:v20+s17+$0x0], $0xffff  }
0xeb: {  	v18 =	vtrunc.f32 v18;
	v29 =	vld.idx.msk [tilespmem:v29+s17+$0x0], $0xffff  }
0xec: {  	v18 =	vcvt.f32.s32 v18;
	v21 =	vld.idx.msk [tilespmem:v21+s17+$0x0], $0xffff  }
0xed: {  	v16 =	vld.idx.msk [tilespmem:v16+s17+$0x0], $0xffff  }
0xee: {  	v17 =	vld.idx.msk [tilespmem:v17+s17+$0x0], $0xffff;
	v15 =	vmul.f32 v15, v2;
	v14 =	vmul.f32 v14, v0  }
0xef: {  	v10 =	vtrunc.f32 v10;
	v13 =	vtrunc.f32 v13;
	v12 =	vld.idx.msk [tilespmem:v12+s17+$0x0], $0xffff  }
0xf0: {  	s18 =	sor.u32 s0, s16;
	v24 =	vld [tilespmem:s8+$0x380];
	v13 =	vcvt.f32.s32 v13;
	v14 =	vadd.f32 v15, v14;
	v15 =	vmul.f32 v29, v3  }
0xf1: {  	s25 =	sadd.s32 $0x1100, s2;
	s2 =	sadd.s32 $0x1280, s2;
	v7 =	vld [tilespmem:s18+$0x0];
	v20 =	vmul.f32 v20, v6;
	v21 =	vmul.f32 v21, v1  }
0xf2: {  	s31 =	sor.u32 s1, s2;
	v11 =	vcvt.f32.s32 v11;
	v18 =	vld.idx.msk [tilespmem:v18+s17+$0x0], $0xffff;
	v33 =	vmul.f32 v16, v8;
	v14 =	vadd.f32 v15, v14  }
0xf3: {  	s2 =	sor.u32 s0, s2;
	v36 =	vld [tilespmem:s31+$0x0];
	v19 =	vmul.f32 v19, v5;
	v16 =	vcvt.f32.s32 v10;
	v10 =	vadd.f32 v20, v21  }
0xf4: {  	s28 =	simm.s32 $0x400;
	s24 =	sor.u32 s0, s13;
	v37 =	vld [tilespmem:s2+$0x0];
	v17 =	vmul.f32 v17, v4;
	v12 =	vmul.f32 v12, v9;
	v14 =	vadd.f32 v33, v14  }
0xf5: {  	s4 =	sor.u32 s1, s21;
	s30 =	sand.u32 $0x3FFFFE00, s28;
	v29 =	vld [tilespmem:s24+$0x0];
	v21 =	vtrunc.f32 v23;
	v23 =	vtrunc.f32 v24;
	v10 =	vadd.f32 v19, v10  }
0xf6: {  	s26 =	sor.u32 s0, s25;
	v20 =	vld [tilespmem:s4+$0x0];
	s4 =	sadd.s32 $0x3080, s30;
	v63 =	vcvt.f32.s32 v21;
	v35 =	vcvt.f32.s32 v23;
	v12 =	vadd.f32 v12, v14  }
0xf7: {  	s3 =	sor.u32 s1, s25;
	s25 =	sor.u32 s1, s4;
	v15 =	vld [tilespmem:s26+$0x0];
	v10 =	vadd.f32 v17, v10;
	v17 =	vmul.f32 v18, v7;
	v18 =	vtrunc.f32 v26  }
0xf8: {  	v19 =	vld [tilespmem:s3+$0x0];
	v14 =	vtrunc.f32 v25;
	[tilespmem:s25+$0x0] =	vst v12;
	v12 =	vtrunc.f32 v27  }
0xf9: {  	v21 =	vcvt.f32.s32 v14;
	v25 =	vld.idx.msk [tilespmem:v13+s17+$0x0], $0xffff;
	v13 =	vadd.f32 v17, v10;
	v23 =	vcvt.f32.s32 v12  }
0xfa: {  	s29 =	sor.u32 s0, s4;
	v14 =	vtrunc.f32 v28;
	v10 =	vcvt.f32.s32 v18;
	v26 =	vld.idx.msk [tilespmem:v30+s17+$0x0], $0xffff  }
0xfb: {  	v12 =	vtrunc.f32 v32;
	v17 =	vtrunc.f32 v29;
	v24 =	vld.idx.msk [tilespmem:v22+s17+$0x0], $0xffff;
	[tilespmem:s29+$0x0] =	vst v13  }
0xfc: {  	v22 =	vtrunc.f32 v34;
	v18 =	vtrunc.f32 v36;
	v29 =	vld.idx.msk [tilespmem:v31+s17+$0x0], $0xffff  }
0xfd: {  	v13 =	vcvt.f32.s32 v14;
	v14 =	vtrunc.f32 v20;
	v28 =	vld.idx.msk [tilespmem:v63+s17+$0x0], $0xffff  }
0xfe: {  	s24 =	simm.s32 $0x10;
	v20 =	vtrunc.f32 v19;
	v19 =	vtrunc.f32 v37;
	v27 =	vld.idx.msk [tilespmem:v35+s17+$0x0], $0xffff  }
.LBB2_4:
0xff: {  	s24 =	sadd.s32 $0x2, s24;
	v23 =	vld.idx.msk [tilespmem:v23+s17+$0x0], $0xffff;
	s23 =	sadd.s32 $0x20, s23  }
0x100: {  	v25 =	vmul.f32 v25, v0;
	v26 =	vmul.f32 v26, v2;
	s0 =	sshll.u32 s24, $0x7;
	s1 =	sshll.u32 s24, $0x6;
	p0 =	slt.u32 s24, $0x1E;
	v21 =	vld.idx.msk [tilespmem:v21+s17+$0x0], $0xffff  }
0x101: {  	s26 =	sand.u32 $0x60, s23;
	s30 =	sand.u32 $0x3FFFFC00, s0;
	s0 =	sand.u32 $0x3FFFFE00, s1;
	v30 =	vld.idx.msk [tilespmem:v16+s17+$0x0], $0xffff  }
0x102: {  	v24 =	vmul.f32 v24, v3;
	v16 =	vadd.f32 v26, v25;
	v26 =	vmul.f32 v29, v1;
	s5 =	sor.u32 s26, s30;
	s2 =	sadd.s32 $0x1100, s30;
	s1 =	sadd.s32 $0x2080, s30;
	v25 =	vld.idx.msk [tilespmem:v11+s17+$0x0], $0xffff  }
0x103: {  	s28 =	sor.u32 $0x10, s26;
	s3 =	sadd.s32 $0x1080, s30;
	s4 =	sadd.s32 $0x1380, s30;
	v28 =	vmul.f32 v28, v6;
	v11 =	vld [tilespmem:s5+$0x300]  }
0x104: {  	s6 =	sadd.s32 $0x1200, s30;
	s21 =	sor.u32 s28, s30;
	s7 =	sor.u32 s28, s4;
	v24 =	vadd.f32 v24, v16;
	v27 =	vmul.f32 v27, v5  }
0x105: {  	s22 =	sadd.s32 $0x1280, s30;
	s4 =	sor.u32 s26, s4;
	s11 =	sor.u32 s28, s1;
	v26 =	vadd.f32 v28, v26;
	v23 =	vmul.f32 v23, v4;
	v16 =	vld [tilespmem:s5+$0x380]  }
0x106: {  	s16 =	sor.u32 s26, s6;
	s20 =	sor.u32 s26, s1;
	s1 =	sadd.s32 $0x2100, s30;
	v29 =	vmul.f32 v21, v7;
	v28 =	vld [tilespmem:s7+$0x0]  }
0x107: {  	s31 =	sor.u32 s26, s22;
	s19 =	sor.u32 s28, s1;
	s7 =	sadd.s32 $0x2000, s30;
	v30 =	vmul.f32 v30, v8;
	v26 =	vadd.f32 v27, v26;
	v21 =	vld [tilespmem:s5+$0x100]  }
0x108: {  	v15 =	vtrunc.f32 v15;
	s14 =	sor.u32 s26, s1;
	s12 =	sor.u32 s26, s7;
	s10 =	sor.u32 s28, s7;
	v25 =	vmul.f32 v25, v9;
	v27 =	vld [tilespmem:s5+$0x200]  }
0x109: {  	s8 =	sor.u32 s28, s3;
	s1 =	sadd.s32 $0x1000, s30;
	s7 =	sor.u32 s26, s3;
	v24 =	vadd.f32 v30, v24;
	v23 =	vadd.f32 v23, v26;
	v26 =	vcvt.f32.s32 v15;
	v31 =	vld [tilespmem:s4+$0x0]  }
0x10a: {  	v22 =	vcvt.f32.s32 v22;
	s18 =	sor.u32 s26, s1;
	s3 =	sadd.s32 $0x1180, s30;
	v15 =	vld [tilespmem:s7+$0x0];
	s7 =	sor.u32 s28, s1  }
0x10b: {  	s15 =	sor.u32 s28, s6;
	s9 =	sor.u32 s26, s3;
	s3 =	sor.u32 s28, s3;
	v23 =	vadd.f32 v29, v23;
	v30 =	vld [tilespmem:s5+$0x280]  }
0x10c: {  	v17 =	vcvt.f32.s32 v17;
	s13 =	sor.u32 s28, s2;
	s1 =	sor.u32 s26, s2;
	s2 =	sor.u32 s28, s22;
	v24 =	vadd.f32 v25, v24;
	v29 =	vld [tilespmem:s21+$0x180]  }
0x10d: {  	v20 =	vcvt.f32.s32 v20;
	s0 =	sadd.s32 $0x3080, s0;
	v25 =	vld [tilespmem:s5+$0x0];
	v27 =	vtrunc.f32 v27;
	[tilespmem:s29+$0x80] =	vst v23  }
0x10e: {  	v23 =	vld [tilespmem:s5+$0x80];
	[tilespmem:s25+$0x80] =	vst v24  }
0x10f: {  	v19 =	vcvt.f32.s32 v19;
	s4 =	sadd.s32 $0x2180, s30;
	v24 =	vld.idx.msk [tilespmem:v26+s17+$0x0], $0xffff  }
0x110: {  	s6 =	sor.u32 s26, s4;
	s4 =	sor.u32 s28, s4;
	v22 =	vld.idx.msk [tilespmem:v22+s17+$0x0], $0xffff  }
0x111: {  	v18 =	vcvt.f32.s32 v18;
	v26 =	vld [tilespmem:s12+$0x0]  }
0x112: {  	v14 =	vcvt.f32.s32 v14;
	v17 =	vld.idx.msk [tilespmem:v17+s17+$0x0], $0xffff  }
0x113: {  	v12 =	vcvt.f32.s32 v12;
	v20 =	vld.idx.msk [tilespmem:v20+s17+$0x0], $0xffff  }
0x114: {  	v10 =	vld.idx.msk [tilespmem:v10+s17+$0x0], $0xffff  }
0x115: {  	v24 =	vmul.f32 v24, v1;
	v1 =	vmov v28;
	v19 =	vld.idx.msk [tilespmem:v19+s17+$0x0], $0xffff  }
0x116: {  	v6 =	vmul.f32 v22, v6;
	v13 =	vld.idx.msk [tilespmem:v13+s17+$0x0], $0xffff  }
0x117: {  	v18 =	vld.idx.msk [tilespmem:v18+s17+$0x0], $0xffff  }
0x118: {  	v6 =	vadd.f32 v6, v24;
	v5 =	vmul.f32 v17, v5;
	v14 =	vld.idx.msk [tilespmem:v14+s17+$0x0], $0xffff  }
0x119: {  	v17 =	vmul.f32 v20, v0;
	v0 =	vmov v31;
	v12 =	vld.idx.msk [tilespmem:v12+s17+$0x0], $0xffff  }
0x11a: {  	v10 =	vmul.f32 v10, v2;
	v5 =	vadd.f32 v5, v6;
	v2 =	vmov v26;
	v20 =	vld [tilespmem:s21+$0x200]  }
0x11b: {  	v4 =	vmul.f32 v19, v4;
	v6 =	vld [tilespmem:s21+$0x100]  }
0x11c: {  	v19 =	vtrunc.f32 v23;
	v10 =	vadd.f32 v10, v17;
	v13 =	vmul.f32 v13, v3;
	v22 =	vld [tilespmem:s21+$0x80]  }
0x11d: {  	v17 =	vtrunc.f32 v25;
	v8 =	vmul.f32 v18, v8;
	v18 =	vadd.f32 v4, v5;
	v23 =	vld [tilespmem:s21+$0x0]  }
0x11e: {  	v17 =	vcvt.f32.s32 v17;
	v5 =	vadd.f32 v13, v10;
	v9 =	vmul.f32 v14, v9;
	v3 =	vld [tilespmem:s20+$0x0]  }
0x11f: {  	v7 =	vmul.f32 v12, v7;
	v10 =	vld [tilespmem:s18+$0x0];
	v13 =	vtrunc.f32 v20  }
0x120: {  	v12 =	vcvt.f32.s32 v19;
	v8 =	vadd.f32 v8, v5;
	v4 =	vld [tilespmem:s19+$0x0];
	v6 =	vtrunc.f32 v6  }
0x121: {  	v13 =	vcvt.f32.s32 v13;
	v7 =	vadd.f32 v7, v18;
	v5 =	vld [tilespmem:s11+$0x0];
	v6 =	vcvt.f32.s32 v6  }
0x122: {  	v19 =	vtrunc.f32 v29;
	v8 =	vadd.f32 v9, v8;
	v14 =	vld [tilespmem:s21+$0x280];
	v18 =	vtrunc.f32 v23  }
0x123: {  	v19 =	vcvt.f32.s32 v19;
	v20 =	vtrunc.f32 v22;
	v9 =	vld [tilespmem:s5+$0x180];
	[tilespmem:s29+$0x100] =	vst v7  }
0x124: {  	v20 =	vcvt.f32.s32 v20;
	v7 =	vtrunc.f32 v21;
	v17 =	vld.idx.msk [tilespmem:v17+s17+$0x0], $0xffff;
	[tilespmem:s25+$0x100] =	vst v8  }
0x125: {  	v8 =	vtrunc.f32 v30  }
0x126: {  	v24 =	vcvt.f32.s32 v8;
	v8 =	vtrunc.f32 v11;
	v12 =	vld.idx.msk [tilespmem:v12+s17+$0x0], $0xffff  }
0x127: {  	v26 =	vcvt.f32.s32 v8;
	v8 =	vld.idx.msk [tilespmem:v6+s17+$0x0], $0xffff  }
0x128: {  	v11 =	vtrunc.f32 v16;
	v6 =	vld [tilespmem:s10+$0x0]  }
0x129: {  	v22 =	vcvt.f32.s32 v27;
	v14 =	vtrunc.f32 v14;
	v19 =	vld.idx.msk [tilespmem:v19+s17+$0x0], $0xffff  }
0x12a: {  	v27 =	vcvt.f32.s32 v11;
	v9 =	vtrunc.f32 v9;
	v20 =	vld.idx.msk [tilespmem:v20+s17+$0x0], $0xffff  }
0x12b: {  	v21 =	vcvt.f32.s32 v7;
	v28 =	vcvt.f32.s32 v14;
	v7 =	vld [tilespmem:s21+$0x300]  }
0x12c: {  	v11 =	vtrunc.f32 v15;
	v15 =	vcvt.f32.s32 v18;
	v14 =	vld [tilespmem:s21+$0x380]  }
0x12d: {  	v11 =	vcvt.f32.s32 v11;
	v25 =	vmul.f32 v8, v5;
	v18 =	vld [tilespmem:s8+$0x0]  }
0x12e: {  	v10 =	vtrunc.f32 v10;
	v9 =	vcvt.f32.s32 v9;
	v8 =	vld [tilespmem:s9+$0x0]  }
0x12f: {  	v16 =	vcvt.f32.s32 v10;
	v19 =	vmul.f32 v19, v4;
	v10 =	vld [tilespmem:s7+$0x0]  }
0x130: {  	v20 =	vmul.f32 v20, v6;
	v23 =	vld [tilespmem:s16+$0x0];
	v29 =	vtrunc.f32 v7  }
0x131: {  	v7 =	vld [tilespmem:s4+$0x0];
	v30 =	vcvt.f32.s32 v29;
	v14 =	vtrunc.f32 v14  }
0x132: {  	v29 =	vld.idx.msk [tilespmem:v21+s17+$0x0], $0xffff;
	v31 =	vcvt.f32.s32 v14;
	v14 =	vtrunc.f32 v18  }
0x133: {  	v18 =	vtrunc.f32 v8;
	v15 =	vld.idx.msk [tilespmem:v15+s17+$0x0], $0xffff;
	v21 =	vcvt.f32.s32 v14  }
0x134: {  	v12 =	vmul.f32 v12, v2;
	v14 =	vld.idx.msk [tilespmem:v9+s17+$0x0], $0xffff;
	v9 =	vtrunc.f32 v10  }
0x135: {  	v8 =	vld [tilespmem:s14+$0x0];
	v32 =	vtrunc.f32 v23;
	v23 =	vcvt.f32.s32 v9  }
0x136: {  	s4 =	sadd.s32 $0x1300, s30;
	v10 =	vmul.f32 v17, v0;
	v17 =	vld.idx.msk [tilespmem:v22+s17+$0x0], $0xffff  }
0x137: {  	s5 =	sor.u32 s26, s4;
	s4 =	sor.u32 s28, s4;
	v9 =	vld [tilespmem:s6+$0x0]  }
0x138: {  	v10 =	vadd.f32 v12, v10;
	v12 =	vmul.f32 v29, v3;
	v22 =	vld [tilespmem:s4+$0x0]  }
0x139: {  	v15 =	vmul.f32 v15, v1;
	v13 =	vld.idx.msk [tilespmem:v13+s17+$0x0], $0xffff  }
0x13a: {  	v10 =	vadd.f32 v12, v10;
	v12 =	vmul.f32 v14, v8;
	v14 =	vld [tilespmem:s15+$0x0]  }
0x13b: {  	v20 =	vadd.f32 v20, v15;
	v29 =	vld [tilespmem:s3+$0x0]  }
0x13c: {  	v33 =	vadd.f32 v12, v10;
	v17 =	vmul.f32 v17, v9;
	v15 =	vld [tilespmem:s13+$0x0]  }
0x13d: {  	v10 =	vcvt.f32.s32 v18;
	v18 =	vadd.f32 v25, v20;
	v34 =	vld [tilespmem:s5+$0x0];
	v12 =	vtrunc.f32 v22  }
0x13e: {  	v20 =	vld [tilespmem:s1+$0x0];
	v22 =	vadd.f32 v17, v33  }
0x13f: {  	s25 =	sor.u32 s26, s0;
	v18 =	vadd.f32 v19, v18;
	v19 =	vmul.f32 v13, v7;
	v33 =	vld [tilespmem:s31+$0x0];
	v17 =	vtrunc.f32 v14  }
0x140: {  	v13 =	vcvt.f32.s32 v32;
	[tilespmem:s25+$0x0] =	vst v22;
	v32 =	vld [tilespmem:s2+$0x0];
	v22 =	vtrunc.f32 v29  }
0x141: {  	v18 =	vadd.f32 v19, v18;
	v25 =	vld.idx.msk [tilespmem:v24+s17+$0x0], $0xffff  }
.Ltmp1:
0x142: {  	s29 =	sor.u32 s28, s0;
	v26 =	vld.idx.msk [tilespmem:v26+s17+$0x0], $0xffff;
	v14 =	vtrunc.f32 v34;
	(pc) =	sbr.rel @p0 .LBB2_4-.Ltmp1, $4  }
0x143: {  	v24 =	vld.idx.msk [tilespmem:v27+s17+$0x0], $0xffff;
	v20 =	vtrunc.f32 v20;
	[tilespmem:s29+$0x0] =	vst v18  }
0x144: {  	v18 =	vtrunc.f32 v33;
	v29 =	vld.idx.msk [tilespmem:v28+s17+$0x0], $0xffff  }
0x145: {  	v28 =	vld.idx.msk [tilespmem:v30+s17+$0x0], $0xffff;
	v19 =	vtrunc.f32 v32  }
0x146: {  	v27 =	vld.idx.msk [tilespmem:v31+s17+$0x0], $0xffff  }
0x147: {  	_ =	sdelay $0x3  }
0x148: {  	v16 =	vld.idx.msk [tilespmem:v16+s17+$0x0], $0xffff  }
0x149: {  	v23 =	vld.idx.msk [tilespmem:v23+s17+$0x0], $0xffff;
	v25 =	vmul.f32 v25, v0;
	v26 =	vmul.f32 v26, v2  }
0x14a: {  	v11 =	vld.idx.msk [tilespmem:v11+s17+$0x0], $0xffff;
	v24 =	vmul.f32 v24, v3  }
0x14b: {  	v29 =	vmul.f32 v29, v1;
	v25 =	vadd.f32 v26, v25;
	v28 =	vmul.f32 v28, v6  }
0x14c: {  	v21 =	vld.idx.msk [tilespmem:v21+s17+$0x0], $0xffff;
	v15 =	vtrunc.f32 v15;
	v27 =	vmul.f32 v27, v5  }
0x14d: {  	v24 =	vadd.f32 v24, v25;
	v28 =	vadd.f32 v28, v29;
	v16 =	vmul.f32 v16, v8  }
0x14e: {  	v20 =	vcvt.f32.s32 v20;
	v23 =	vmul.f32 v23, v4  }
0x14f: {  	v11 =	vmul.f32 v11, v9;
	v48 =	vadd.f32 v27, v28;
	v16 =	vadd.f32 v16, v24  }
0x150: {  	v22 =	vcvt.f32.s32 v22;
	v15 =	vcvt.f32.s32 v15  }
0x151: {  	v21 =	vmul.f32 v21, v7;
	v23 =	vadd.f32 v23, v48;
	v11 =	vadd.f32 v11, v16;
	_ =	sdelay $0x1  }
0x152: {  	v17 =	vcvt.f32.s32 v17;
	v21 =	vadd.f32 v21, v23;
	[tilespmem:s25+$0x80] =	vst v11  }
0x153: {  	v18 =	vcvt.f32.s32 v18;
	v51 =	vld.idx.msk [tilespmem:v20+s17+$0x0], $0xffff  }
0x154: {  	v49 =	vcvt.f32.s32 v19;
	v10 =	vld.idx.msk [tilespmem:v10+s17+$0x0], $0xffff;
	[tilespmem:s29+$0x80] =	vst v21  }
0x155: {  	v14 =	vcvt.f32.s32 v14;
	v15 =	vld.idx.msk [tilespmem:v15+s17+$0x0], $0xffff  }
0x156: {  	v12 =	vcvt.f32.s32 v12;
	v50 =	vld.idx.msk [tilespmem:v22+s17+$0x0], $0xffff  }
0x157: {  	v13 =	vld.idx.msk [tilespmem:v13+s17+$0x0], $0xffff  }
0x158: {  	v17 =	vld.idx.msk [tilespmem:v17+s17+$0x0], $0xffff  }
0x159: {  	v54 =	vld.idx.msk [tilespmem:v18+s17+$0x0], $0xffff  }
0x15a: {  	v16 =	vld.idx.msk [tilespmem:v49+s17+$0x0], $0xffff;
	v55 =	vmul.f32 v51, v0;
	v56 =	vmul.f32 v10, v2  }
0x15b: {  	v57 =	vld.idx.msk [tilespmem:v14+s17+$0x0], $0xffff;
	v52 =	vmul.f32 v15, v1;
	v53 =	vmul.f32 v50, v6  }
0x15c: {  	v12 =	vld.idx.msk [tilespmem:v12+s17+$0x0], $0xffff;
	v59 =	vmul.f32 v13, v3;
	v0 =	vadd.f32 v56, v55  }
0x15d: {  	v58 =	vmul.f32 v17, v5;
	v1 =	vadd.f32 v53, v52  }
0x15e: {  	v61 =	vmul.f32 v54, v8;
	v0 =	vadd.f32 v59, v0  }
0x15f: {  	v60 =	vmul.f32 v16, v4;
	v1 =	vadd.f32 v58, v1  }
0x160: {  	v63 =	vmul.f32 v57, v9;
	v0 =	vadd.f32 v61, v0  }
0x161: {  	v62 =	vmul.f32 v12, v7;
	v1 =	vadd.f32 v60, v1  }
0x162: {  	v0 =	vadd.f32 v63, v0  }
0x163: {  	v1 =	vadd.f32 v62, v1  }
0x164: {  	[tilespmem:s25+$0x100] =	vst v0  }
0x165: {  	s7 =	simm.s32 $0x0;
	[tilespmem:s29+$0x100] =	vst v1  }
0x166: {  	s1 =	simm.s32 $0x3080;
	s2 =	simm.s32 $0x3;
	s0 =	rddreg [dreg:$0x6]  }
0x167: {  	[hbm4b:s0+s7] =	stream.linear.scatter [tilespmem:s1], [sflag:$0x3], $0x800, $0x38;
	[tilespmem:$0x3880] =	vst v63  }
0x168: {  	_ =	swait.ge [sflag:s2], $0x800  }
0x169: {  	s30 =	rddreg [dreg:$0xc]  }
0x16a: {  	s31 =	rddreg [dreg:$0x7];
	s1 =	sadd.s32 $0x1, s30  }
0x16b: {  	p0 =	sne.s32 s1, s31  }
.Ltmp2:
0x16c: {  	_ = 	snop;
	(pc) =	sbr.rel @p0 .LBB2_1-.Ltmp2, $3  }
0x16d: {  	_ =	sdelay $0x1  }
0x16e: {  	[sflag:s2] =	ssyncset.done $0x0  }
0x16f: {  	[sflag:s2] =	ssyncadd.s32 $0xFFFFF800  }
0x170: {  	_ =	sfence.sel $0x180000  }
0x171: {  	[bflag:$0x0] =	sbarrier.arrive $0xFFFF  }
0x172: {  	_ =	strace $0x90000047  }
0x173: {  	s0 =	stileid.u32;
	[bflag:$0x2] =	sbarrier.arrive $0xFFFF  }
0x174: {  	p0 =	sne.s32 s0, $0x0;
	s0 =	rddreg [dreg:$0x3]  }
0x175: {  	s0 =	sadd.s32 @!p0 $0x100000, s0  }
0x176: {  	[sflag:s0] =	ssyncadd.tile.s32 @!p0 $0x1;
	_ =	shalt  }
.Lfunc_end2:
_tile_overlayer_lowered:
.L_overlay_start_2:
0x177: {  	(tag) =	ssettag $0x2  }
0x178: {  	s0 =	rddreg [dreg:$0x0];
	s2 =	stileid.u32  }
0x179: {  	s1 =	rddreg [dreg:$0x1];
	p0 =	sne.s32 s2, $0x0  }
0x17a: {  	s3 =	rddreg [dreg:$0x2];
	[bflag:$0x3] =	sbarrier.arrive $0xFFFF;
	s2 =	simm.s32 @!p0 $0x1C03  }
0x17b: {  	[timem:s3], [sflag:s2] =	dma.local @!p0 [hbm:s0], s1  }
0x17c: {  	s0 =	simm.s32 @!p0 $0x3  }
0x17d: {  	_ =	swait.ge @!p0 [sflag:s0], s1  }
0x17e: {  	s1 =	ssub.s32 @!p0 $0x0, s1;
	[sflag:s0] =	ssyncset.done @!p0 $0x0  }
0x17f: {  	[sflag:s0] =	ssyncadd.s32 @!p0 s1  }
0x180: {  	[bflag:$0x3] =	sbarrier.arrive $0xFFFF  }
0x181: {  	_ =	shalt  }

</sc_bundles>
